<compile_context>
chip_gen: v7x
topology: tpu7x:2x2x1
jax: 0.10.2.dev20260603
libtpu: 0.0.44.dev20260713+nightly
codegen_flags: <defaults>
</compile_context>

<pallas_src>
import functools

import jax
import jax.numpy as jnp
from jax import lax
from jax.experimental import pallas as pl
from jax.experimental.pallas import tpu as pltpu
from jax.experimental.pallas import tpu_sc as plsc

NC = 2
NS = 16
NW = NC * NS
LANES = 16


def _gather_body(bpw, L, table2_hbm, wordsT_hbm, out_hbm,
                 idx_v, idxT, gb_a, gb_b, ob_a, ob_b,
                 sg_a, sg_b, sw_a, sw_b):
    wid = lax.axis_index("s") * NC + lax.axis_index("c")
    b0 = pl.multiple_of(wid * bpw, bpw)
    n_pairs = bpw // 2
    n_idx = bpw * L

    pltpu.sync_copy(wordsT_hbm.at[:, pl.ds(b0, bpw)], idx_v)

    iota = lax.iota(jnp.int32, LANES)

    @plsc.parallel_loop(0, n_idx // LANES, step=1, unroll=8)
    def _(g):
        k = g * LANES + iota
        b = k // L
        l = k - b * L
        iv = plsc.load_gather(idx_v, [l, b])
        plsc.store_scatter(idxT, [b, l], lax.shift_right_logical(iv, 1))

    def start_gather(b, gb, sg):
        pltpu.async_copy(table2_hbm.at[idxT.at[b]], gb, sg)

    def wait_gather(b, gb, sg):
        pltpu.make_async_copy(table2_hbm.at[idxT.at[b]], gb, sg).wait()

    def extract(b, gb, ob):
        bb = jnp.full((LANES,), 0, jnp.int32) + b

        @plsc.parallel_loop(0, L, step=1, unroll=8)
        def _(r):
            rr = jnp.full((LANES,), 0, jnp.int32) + r
            hv = plsc.load_gather(idx_v, [rr, bb])
            pred = (hv & 1) > 0
            for c in range(4):
                v0 = gb[r, pl.ds(c * LANES, LANES)]
                v1 = gb[r, pl.ds(64 + c * LANES, LANES)]
                ob[r, pl.ds(c * LANES, LANES)] = jnp.where(pred, v1, v0)

    def start_wb(b, ob, sw):
        pltpu.async_copy(ob, out_hbm.at[b0 + b], sw)

    def wait_wb(ob, sw):
        pltpu.make_async_copy(ob, out_hbm.at[b0], sw).wait()

    start_gather(0, gb_a, sg_a)

    def pair(p, carry):
        e = p * 2
        o = e + 1

        start_gather(o, gb_b, sg_b)
        wait_gather(e, gb_a, sg_a)

        @pl.when(p >= 1)
        def _():
            wait_wb(ob_a, sw_a)
        extract(e, gb_a, ob_a)
        start_wb(e, ob_a, sw_a)

        @pl.when(p + 1 < n_pairs)
        def _():
            start_gather(e + 2, gb_a, sg_a)

        wait_gather(o, gb_b, sg_b)

        @pl.when(p >= 1)
        def _():
            wait_wb(ob_b, sw_b)
        extract(o, gb_b, ob_b)
        start_wb(o, ob_b, sw_b)
        return carry

    lax.fori_loop(0, n_pairs, pair, 0)
    wait_wb(ob_a, sw_a)
    wait_wb(ob_b, sw_b)


@jax.jit
def kernel(words, word_emb):
    B, L = words.shape
    V, D = word_emb.shape
    if words.dtype != jnp.int32:
        words = words.astype(jnp.int32)

    table2 = word_emb.reshape(V // 2, 2 * D)
    wordsT = words.T

    mesh = plsc.VectorSubcoreMesh(core_axis_name="c", subcore_axis_name="s")
    bpw = B // NW
    body = functools.partial(_gather_body, bpw, L)
    out = pl.kernel(
        body,
        out_type=jax.ShapeDtypeStruct((B, L, D), jnp.float32),
        mesh=mesh,
        compiler_params=pltpu.CompilerParams(needs_layout_passes=False),
        scratch_types=[
            pltpu.VMEM((L, bpw), jnp.int32),
            pltpu.VMEM((bpw, L), jnp.int32),
            pltpu.VMEM((L, 2 * D), jnp.float32),
            pltpu.VMEM((L, 2 * D), jnp.float32),
            pltpu.VMEM((L, D), jnp.float32),
            pltpu.VMEM((L, D), jnp.float32),
            pltpu.SemaphoreType.DMA,
            pltpu.SemaphoreType.DMA,
            pltpu.SemaphoreType.DMA,
            pltpu.SemaphoreType.DMA,
        ],
    )(table2, wordsT)
    return out

# --- scband reference (transcript-rebuilt; emitter-appended) ---
"""Pipeline reference for scband-embeddings-5480378270059 (READ-ONLY COPY).

The authoritative reference and input builder live on the scoring server;
editing this copy changes nothing except your own understanding.
"""

import jax, jax.numpy as jnp
import numpy as np

VOCAB = 1000000
EMB_DIM = 64
PAD_IDX = 0

def setup_inputs(seed: int = 0) -> dict:
    key = jax.random.key(seed)
    k1, k2 = jax.random.split(key)
    words = jax.random.randint(k1, (4096, 50), 0, VOCAB, dtype=jnp.int64)
    word_emb = jax.random.normal(k2, (VOCAB, EMB_DIM), dtype=jnp.float32)
    # padding row is zeroed, matching nn.Embedding padding_idx init
    word_emb = word_emb.at[PAD_IDX].set(0.0)
    return {"words": words, "word_emb": word_emb}

def reference(words, word_emb):
    # word embedding lookup (gather); dropout is identity in eval mode
    out = jnp.take(word_emb, words, axis=0)  # [B, L, emb_dim]
    return out

if __name__ == "__main__":
    import jax
    _d = setup_inputs()
    print(jax.jit(kernel)(*tuple(_d.values())))

</pallas_src>

<mosaic_0001>
#map = affine_map<(d0, d1) -> (0, 0)>
#map1 = affine_map<(d0, d1) -> (0, 0, 0)>
module attributes {stable_mosaic.version = 14 : i64} {
  func.func @_gather_body(%arg0: i32, %arg1: i32, %arg2: memref<500000x128xf32, #tpu.memory_space<hbm>>, %arg3: memref<50x4096xi32, #tpu.memory_space<hbm>>, %arg4: memref<4096x50x64xf32, #tpu.memory_space<hbm>>, %arg5: memref<50x128xi32, #tpu.memory_space<vmem>>, %arg6: memref<128x50xi32, #tpu.memory_space<vmem>>, %arg7: memref<50x128xf32, #tpu.memory_space<vmem>>, %arg8: memref<50x128xf32, #tpu.memory_space<vmem>>, %arg9: memref<50x64xf32, #tpu.memory_space<vmem>>, %arg10: memref<50x64xf32, #tpu.memory_space<vmem>>, %arg11: memref<!tpu.dma_semaphore, #tpu.memory_space<semaphore_mem>>, %arg12: memref<!tpu.dma_semaphore, #tpu.memory_space<semaphore_mem>>, %arg13: memref<!tpu.dma_semaphore, #tpu.memory_space<semaphore_mem>>, %arg14: memref<!tpu.dma_semaphore, #tpu.memory_space<semaphore_mem>>) attributes {dimension_semantics = [#tpu.dimension_semantics<core_parallel>, #tpu.dimension_semantics<subcore_parallel>], iteration_bounds = array<i64: 2, 16>, scalar_prefetch = 0 : i64, scratch_operands = 10 : i64, tpu.core_type = #tpu.core_type<sc_vector_subcore>, window_params = [{transform_indices = #map}, {transform_indices = #map}, {transform_indices = #map1}]} {
    %mul3A = arith.constant 2 : i32
    %mul3A_0 = arith.muli %arg1, %mul3A : i32
    %add3A = arith.addi %mul3A_0, %arg0 : i32
    %mul3A_1 = arith.constant 128 : i32
    %mul3A_2 = arith.muli %add3A, %mul3A_1 : i32
    %multiple_of3A = tpu.assume_multiple %mul3A_2, 128 : i32
    "tpu.region"() ({
      %run_scoped3A = tpu.sem_alloc : memref<!tpu.dma_semaphore, #tpu.memory_space<semaphore_mem>>
      %dma_start3A_31 = arith.constant 0 : i32
      %dma_start3A_32 = tpu.memref_slice %arg3[%dma_start3A_31, %multiple_of3A] : memref<50x4096xi32, #tpu.memory_space<hbm>> -> memref<50x128xi32, #tpu.memory_space<hbm>>
      %dma_start3A_33 = arith.constant 0 : i32
      %dma_start3A_34 = tpu.memref_slice %arg3[%dma_start3A_33, %multiple_of3A] : memref<50x4096xi32, #tpu.memory_space<hbm>> -> memref<50x128xi32, #tpu.memory_space<hbm>>
      tpu.enqueue_dma source(%dma_start3A_34 : memref<50x128xi32, #tpu.memory_space<hbm>>) target(%arg5 : memref<50x128xi32, #tpu.memory_space<vmem>>) target_semaphore(%run_scoped3A : memref<!tpu.dma_semaphore, #tpu.memory_space<semaphore_mem>>)
      %dma_wait3A_35 = arith.constant 0 : i32
      %dma_wait3A_36 = tpu.memref_slice %arg3[%dma_wait3A_35, %multiple_of3A] : memref<50x4096xi32, #tpu.memory_space<hbm>> -> memref<50x128xi32, #tpu.memory_space<hbm>>
      %dma_wait3A_37 = arith.constant 0 : i32
      %dma_wait3A_38 = tpu.memref_slice %arg3[%dma_wait3A_37, %multiple_of3A] : memref<50x4096xi32, #tpu.memory_space<hbm>> -> memref<50x128xi32, #tpu.memory_space<hbm>>
      tpu.wait_dma2 semaphore(%run_scoped3A : memref<!tpu.dma_semaphore, #tpu.memory_space<semaphore_mem>>) src(%dma_wait3A_38 : memref<50x128xi32, #tpu.memory_space<hbm>>) dst(%arg5 : memref<50x128xi32, #tpu.memory_space<vmem>>)
      tpu.yield
    }) : () -> ()
    %iota3A = tpu.iota {dimensions = array<i32: 0>} : vector<16xi32>
    %parallel_loop3A = arith.constant 0 : i32
    %parallel_loop3A_3 = arith.constant 400 : i32
    %parallel_loop3A_4 = arith.constant 1 : i32
    scf.for %parallel_loop3A_31 = %parallel_loop3A to %parallel_loop3A_3 step %parallel_loop3A_4  : i32 {
      %parallel_loop3A_32 = arith.constant 16 : i32
      %parallel_loop3A_33 = arith.muli %parallel_loop3A_31, %parallel_loop3A_32 : i32
      %parallel_loop3A_34 = vector.broadcast %parallel_loop3A_33 : i32 to vector<16xi32>
      %parallel_loop3A_35 = arith.addi %parallel_loop3A_34, %iota3A : vector<16xi32>
      %parallel_loop3A_36 = arith.constant 50 : i32
      %parallel_loop3A_37 = vector.broadcast %parallel_loop3A_36 : i32 to vector<16xi32>
      %parallel_loop3A_38 = arith.divsi %parallel_loop3A_35, %parallel_loop3A_37 : vector<16xi32>
      %parallel_loop3A_39 = arith.constant 0 : i32
      %parallel_loop3A_40 = vector.broadcast %parallel_loop3A_39 : i32 to vector<16xi32>
      %parallel_loop3A_41 = arith.cmpi sgt, %parallel_loop3A_35, %parallel_loop3A_40 : vector<16xi32>
      %parallel_loop3A_42 = arith.extui %parallel_loop3A_41 : vector<16xi1> to vector<16xi32>
      %parallel_loop3A_43 = arith.constant 0 : i32
      %parallel_loop3A_44 = vector.broadcast %parallel_loop3A_43 : i32 to vector<16xi32>
      %parallel_loop3A_45 = arith.cmpi slt, %parallel_loop3A_35, %parallel_loop3A_44 : vector<16xi32>
      %parallel_loop3A_46 = arith.extui %parallel_loop3A_45 : vector<16xi1> to vector<16xi32>
      %parallel_loop3A_47 = arith.subi %parallel_loop3A_42, %parallel_loop3A_46 : vector<16xi32>
      %parallel_loop3A_48 = arith.constant 0 : i32
      %parallel_loop3A_49 = arith.cmpi sgt, %parallel_loop3A_36, %parallel_loop3A_48 : i32
      %parallel_loop3A_50 = arith.extui %parallel_loop3A_49 : i1 to i32
      %parallel_loop3A_51 = arith.constant 0 : i32
      %parallel_loop3A_52 = arith.cmpi slt, %parallel_loop3A_36, %parallel_loop3A_51 : i32
      %parallel_loop3A_53 = arith.extui %parallel_loop3A_52 : i1 to i32
      %parallel_loop3A_54 = arith.subi %parallel_loop3A_50, %parallel_loop3A_53 : i32
      %parallel_loop3A_55 = vector.broadcast %parallel_loop3A_54 : i32 to vector<16xi32>
      %parallel_loop3A_56 = arith.cmpi ne, %parallel_loop3A_47, %parallel_loop3A_55 : vector<16xi32>
      %parallel_loop3A_57 = vector.broadcast %parallel_loop3A_36 : i32 to vector<16xi32>
      %parallel_loop3A_58 = arith.remsi %parallel_loop3A_35, %parallel_loop3A_57 : vector<16xi32>
      %parallel_loop3A_59 = arith.constant 0 : i32
      %parallel_loop3A_60 = vector.broadcast %parallel_loop3A_59 : i32 to vector<16xi32>
      %parallel_loop3A_61 = arith.cmpi ne, %parallel_loop3A_58, %parallel_loop3A_60 : vector<16xi32>
      %parallel_loop3A_62 = arith.andi %parallel_loop3A_56, %parallel_loop3A_61 : vector<16xi1>
      %parallel_loop3A_63 = arith.constant 1 : i32
      %parallel_loop3A_64 = vector.broadcast %parallel_loop3A_63 : i32 to vector<16xi32>
      %parallel_loop3A_65 = arith.subi %parallel_loop3A_38, %parallel_loop3A_64 : vector<16xi32>
      %parallel_loop3A_66 = arith.select %parallel_loop3A_62, %parallel_loop3A_65, %parallel_loop3A_38 : vector<16xi1>, vector<16xi32>
      %parallel_loop3A_67 = arith.constant 50 : i32
      %parallel_loop3A_68 = vector.broadcast %parallel_loop3A_67 : i32 to vector<16xi32>
      %parallel_loop3A_69 = arith.muli %parallel_loop3A_66, %parallel_loop3A_68 : vector<16xi32>
      %parallel_loop3A_70 = arith.subi %parallel_loop3A_35, %parallel_loop3A_69 : vector<16xi32>
      %parallel_loop3A_71 = tpu.vector_load_idx %arg5[%parallel_loop3A_70, %parallel_loop3A_66] : memref<50x128xi32, #tpu.memory_space<vmem>>[vector<16xi32>, vector<16xi32>], vector<16xi32>,
      %parallel_loop3A_72 = arith.constant 1 : i32
      %parallel_loop3A_73 = vector.broadcast %parallel_loop3A_72 : i32 to vector<16xi32>
      %parallel_loop3A_74 = arith.shrui %parallel_loop3A_71, %parallel_loop3A_73 : vector<16xi32>
      tpu.vector_store_idx %arg6[%parallel_loop3A_66, %parallel_loop3A_70], %parallel_loop3A_74 : memref<128x50xi32, #tpu.memory_space<vmem>>[vector<16xi32>, vector<16xi32>], vector<16xi32>,
    } {sc.loop_unroll_factor = 8 : i64, sc.parallel_access}
    %dma_start3A = arith.constant 0 : i32
    %dma_start3A_5 = arith.constant 0 : i32
    %dma_start3A_6 = tpu.memref_slice %arg6[%dma_start3A, %dma_start3A_5] : memref<128x50xi32, #tpu.memory_space<vmem>> -> memref<1x50xi32, #tpu.memory_space<vmem>>
    %dma_start3A_7 = tpu.memref_squeeze %dma_start3A_6 : memref<1x50xi32, #tpu.memory_space<vmem>> -> memref<50xi32, #tpu.memory_space<vmem>>
    %dma_start3A_8 = arith.constant 0 : i32
    %dma_start3A_9 = arith.constant 0 : i32
    %dma_start3A_10 = tpu.memref_slice %arg2[%dma_start3A_8, %dma_start3A_9] : memref<500000x128xf32, #tpu.memory_space<hbm>> -> memref<500000x128xf32, #tpu.memory_space<hbm>>
    tpu.enqueue_indirect_dma source(%dma_start3A_10 : memref<500000x128xf32, #tpu.memory_space<hbm>>) target(%arg7 : memref<50x128xf32, #tpu.memory_space<vmem>>) offsets(%dma_start3A_7 : memref<50xi32, #tpu.memory_space<vmem>>) semaphore(%arg11 : memref<!tpu.dma_semaphore, #tpu.memory_space<semaphore_mem>>)
    %scan3A = arith.constant 0 : i32
    %scan3A_11 = arith.constant 0 : i32
    %scan3A_12 = arith.constant 64 : i32
    %scan3A_13 = arith.addi %scan3A_11, %scan3A_12 : i32
    %scan3A_14 = arith.constant 1 : i32
    scf.for %scan3A_31 = %scan3A_11 to %scan3A_13 step %scan3A_14  : i32 {
      %mul3A_32 = arith.constant 2 : i32
      %mul3A_33 = arith.muli %scan3A_31, %mul3A_32 : i32
      %add3A_34 = arith.constant 1 : i32
      %add3A_35 = arith.addi %mul3A_33, %add3A_34 : i32
      %dma_start3A_36 = arith.constant 0 : i32
      %dma_start3A_37 = tpu.memref_slice %arg6[%add3A_35, %dma_start3A_36] : memref<128x50xi32, #tpu.memory_space<vmem>> -> memref<1x50xi32, #tpu.memory_space<vmem>>
      %dma_start3A_38 = tpu.memref_squeeze %dma_start3A_37 : memref<1x50xi32, #tpu.memory_space<vmem>> -> memref<50xi32, #tpu.memory_space<vmem>>
      %dma_start3A_39 = arith.constant 0 : i32
      %dma_start3A_40 = arith.constant 0 : i32
      %dma_start3A_41 = tpu.memref_slice %arg2[%dma_start3A_39, %dma_start3A_40] : memref<500000x128xf32, #tpu.memory_space<hbm>> -> memref<500000x128xf32, #tpu.memory_space<hbm>>
      tpu.enqueue_indirect_dma source(%dma_start3A_41 : memref<500000x128xf32, #tpu.memory_space<hbm>>) target(%arg8 : memref<50x128xf32, #tpu.memory_space<vmem>>) offsets(%dma_start3A_38 : memref<50xi32, #tpu.memory_space<vmem>>) semaphore(%arg12 : memref<!tpu.dma_semaphore, #tpu.memory_space<semaphore_mem>>)
      %dma_wait3A_42 = arith.constant 0 : i32
      %dma_wait3A_43 = tpu.memref_slice %arg6[%mul3A_33, %dma_wait3A_42] : memref<128x50xi32, #tpu.memory_space<vmem>> -> memref<1x50xi32, #tpu.memory_space<vmem>>
      %dma_wait3A_44 = tpu.memref_squeeze %dma_wait3A_43 : memref<1x50xi32, #tpu.memory_space<vmem>> -> memref<50xi32, #tpu.memory_space<vmem>>
      %dma_wait3A_45 = arith.constant 0 : i32
      %dma_wait3A_46 = arith.constant 0 : i32
      %dma_wait3A_47 = tpu.memref_slice %arg2[%dma_wait3A_45, %dma_wait3A_46] : memref<500000x128xf32, #tpu.memory_space<hbm>> -> memref<500000x128xf32, #tpu.memory_space<hbm>>
      tpu.wait_indirect_dma semaphore(%arg11 : memref<!tpu.dma_semaphore, #tpu.memory_space<semaphore_mem>>) src(%dma_wait3A_47 : memref<500000x128xf32, #tpu.memory_space<hbm>>) dst(%arg7 : memref<50x128xf32, #tpu.memory_space<vmem>>)
      %ge3A = arith.constant 1 : i32
      %ge3A_48 = arith.cmpi sge, %scan3A_31, %ge3A : i32
      %convert_element_type3A = arith.extui %ge3A_48 : i1 to i32
      %cond3A = arith.constant 0 : i32
      %cond3A_49 = arith.cmpi ne, %convert_element_type3A, %cond3A : i32
      scf.if %cond3A_49 {
        %dma_wait3A_98 = arith.constant 0 : i32
        %dma_wait3A_99 = arith.constant 0 : i32
        %dma_wait3A_100 = tpu.memref_slice %arg4[%multiple_of3A, %dma_wait3A_98, %dma_wait3A_99] : memref<4096x50x64xf32, #tpu.memory_space<hbm>> -> memref<1x50x64xf32, #tpu.memory_space<hbm>>
        %dma_wait3A_101 = tpu.memref_squeeze %dma_wait3A_100 : memref<1x50x64xf32, #tpu.memory_space<hbm>> -> memref<50x64xf32, #tpu.memory_space<hbm>>
        %dma_wait3A_102 = arith.constant 0 : i32
        %dma_wait3A_103 = arith.constant 0 : i32
        %dma_wait3A_104 = tpu.memref_slice %arg4[%multiple_of3A, %dma_wait3A_102, %dma_wait3A_103] : memref<4096x50x64xf32, #tpu.memory_space<hbm>> -> memref<1x50x64xf32, #tpu.memory_space<hbm>>
        %dma_wait3A_105 = tpu.memref_squeeze %dma_wait3A_104 : memref<1x50x64xf32, #tpu.memory_space<hbm>> -> memref<50x64xf32, #tpu.memory_space<hbm>>
        tpu.wait_dma2 semaphore(%arg13 : memref<!tpu.dma_semaphore, #tpu.memory_space<semaphore_mem>>) src(%arg9 : memref<50x64xf32, #tpu.memory_space<vmem>>) dst(%dma_wait3A_105 : memref<50x64xf32, #tpu.memory_space<hbm>>)
      } else {
      }
      %broadcast_in_dim3A = arith.constant 0 : i32
      %broadcast_in_dim3A_50 = vector.broadcast %broadcast_in_dim3A : i32 to vector<16xi32>
      %add3A_51 = vector.broadcast %mul3A_33 : i32 to vector<16xi32>
      %add3A_52 = arith.addi %broadcast_in_dim3A_50, %add3A_51 : vector<16xi32>
      %parallel_loop3A_53 = arith.constant 0 : i32
      %parallel_loop3A_54 = arith.constant 50 : i32
      %parallel_loop3A_55 = arith.constant 1 : i32
      scf.for %parallel_loop3A_98 = %parallel_loop3A_53 to %parallel_loop3A_54 step %parallel_loop3A_55  : i32 {
        %parallel_loop3A_99 = arith.constant 0 : i32
        %parallel_loop3A_100 = vector.broadcast %parallel_loop3A_99 : i32 to vector<16xi32>
        %parallel_loop3A_101 = vector.broadcast %parallel_loop3A_98 : i32 to vector<16xi32>
        %parallel_loop3A_102 = arith.addi %parallel_loop3A_100, %parallel_loop3A_101 : vector<16xi32>
        %parallel_loop3A_103 = tpu.vector_load_idx %arg5[%parallel_loop3A_102, %add3A_52] : memref<50x128xi32, #tpu.memory_space<vmem>>[vector<16xi32>, vector<16xi32>], vector<16xi32>,
        %parallel_loop3A_104 = arith.constant 1 : i32
        %parallel_loop3A_105 = vector.broadcast %parallel_loop3A_104 : i32 to vector<16xi32>
        %parallel_loop3A_106 = arith.andi %parallel_loop3A_103, %parallel_loop3A_105 : vector<16xi32>
        %parallel_loop3A_107 = arith.constant 0 : i32
        %parallel_loop3A_108 = vector.broadcast %parallel_loop3A_107 : i32 to vector<16xi32>
        %parallel_loop3A_109 = arith.cmpi sgt, %parallel_loop3A_106, %parallel_loop3A_108 : vector<16xi32>
        %parallel_loop3A_110 = arith.index_cast %parallel_loop3A_98 : i32 to index
        %parallel_loop3A_111 = arith.constant 0 : index
        %parallel_loop3A_112 = tpu.vector_load %arg7[%parallel_loop3A_110, %parallel_loop3A_111] {strides = array<i32>} : memref<50x128xf32, #tpu.memory_space<vmem>>, vector<16xf32>,
        %parallel_loop3A_113 = arith.index_cast %parallel_loop3A_98 : i32 to index
        %parallel_loop3A_114 = arith.constant 64 : index
        %parallel_loop3A_115 = tpu.vector_load %arg7[%parallel_loop3A_113, %parallel_loop3A_114] {strides = array<i32>} : memref<50x128xf32, #tpu.memory_space<vmem>>, vector<16xf32>,
        %parallel_loop3A_116 = arith.select %parallel_loop3A_109, %parallel_loop3A_115, %parallel_loop3A_112 : vector<16xi1>, vector<16xf32>
        %parallel_loop3A_117 = arith.index_cast %parallel_loop3A_98 : i32 to index
        %parallel_loop3A_118 = arith.constant 0 : index
        %parallel_loop3A_119 = tpu.vector_load %arg9[%parallel_loop3A_117, %parallel_loop3A_118] {strides = array<i32>} : memref<50x64xf32, #tpu.memory_space<vmem>>, vector<16xf32>,
        tpu.vector_store %arg9[%parallel_loop3A_117, %parallel_loop3A_118], %parallel_loop3A_116 {strides = array<i32>} : memref<50x64xf32, #tpu.memory_space<vmem>>, vector<16xf32>,
        %parallel_loop3A_120 = arith.index_cast %parallel_loop3A_98 : i32 to index
        %parallel_loop3A_121 = arith.constant 16 : index
        %parallel_loop3A_122 = tpu.vector_load %arg7[%parallel_loop3A_120, %parallel_loop3A_121] {strides = array<i32>} : memref<50x128xf32, #tpu.memory_space<vmem>>, vector<16xf32>,
        %parallel_loop3A_123 = arith.index_cast %parallel_loop3A_98 : i32 to index
        %parallel_loop3A_124 = arith.constant 80 : index
        %parallel_loop3A_125 = tpu.vector_load %arg7[%parallel_loop3A_123, %parallel_loop3A_124] {strides = array<i32>} : memref<50x128xf32, #tpu.memory_space<vmem>>, vector<16xf32>,
        %parallel_loop3A_126 = arith.select %parallel_loop3A_109, %parallel_loop3A_125, %parallel_loop3A_122 : vector<16xi1>, vector<16xf32>
        %parallel_loop3A_127 = arith.index_cast %parallel_loop3A_98 : i32 to index
        %parallel_loop3A_128 = arith.constant 16 : index
        %parallel_loop3A_129 = tpu.vector_load %arg9[%parallel_loop3A_127, %parallel_loop3A_128] {strides = array<i32>} : memref<50x64xf32, #tpu.memory_space<vmem>>, vector<16xf32>,
        tpu.vector_store %arg9[%parallel_loop3A_127, %parallel_loop3A_128], %parallel_loop3A_126 {strides = array<i32>} : memref<50x64xf32, #tpu.memory_space<vmem>>, vector<16xf32>,
        %parallel_loop3A_130 = arith.index_cast %parallel_loop3A_98 : i32 to index
        %parallel_loop3A_131 = arith.constant 32 : index
        %parallel_loop3A_132 = tpu.vector_load %arg7[%parallel_loop3A_130, %parallel_loop3A_131] {strides = array<i32>} : memref<50x128xf32, #tpu.memory_space<vmem>>, vector<16xf32>,
        %parallel_loop3A_133 = arith.index_cast %parallel_loop3A_98 : i32 to index
        %parallel_loop3A_134 = arith.constant 96 : index
        %parallel_loop3A_135 = tpu.vector_load %arg7[%parallel_loop3A_133, %parallel_loop3A_134] {strides = array<i32>} : memref<50x128xf32, #tpu.memory_space<vmem>>, vector<16xf32>,
        %parallel_loop3A_136 = arith.select %parallel_loop3A_109, %parallel_loop3A_135, %parallel_loop3A_132 : vector<16xi1>, vector<16xf32>
        %parallel_loop3A_137 = arith.index_cast %parallel_loop3A_98 : i32 to index
        %parallel_loop3A_138 = arith.constant 32 : index
        %parallel_loop3A_139 = tpu.vector_load %arg9[%parallel_loop3A_137, %parallel_loop3A_138] {strides = array<i32>} : memref<50x64xf32, #tpu.memory_space<vmem>>, vector<16xf32>,
        tpu.vector_store %arg9[%parallel_loop3A_137, %parallel_loop3A_138], %parallel_loop3A_136 {strides = array<i32>} : memref<50x64xf32, #tpu.memory_space<vmem>>, vector<16xf32>,
        %parallel_loop3A_140 = arith.index_cast %parallel_loop3A_98 : i32 to index
        %parallel_loop3A_141 = arith.constant 48 : index
        %parallel_loop3A_142 = tpu.vector_load %arg7[%parallel_loop3A_140, %parallel_loop3A_141] {strides = array<i32>} : memref<50x128xf32, #tpu.memory_space<vmem>>, vector<16xf32>,
        %parallel_loop3A_143 = arith.index_cast %parallel_loop3A_98 : i32 to index
        %parallel_loop3A_144 = arith.constant 112 : index
        %parallel_loop3A_145 = tpu.vector_load %arg7[%parallel_loop3A_143, %parallel_loop3A_144] {strides = array<i32>} : memref<50x128xf32, #tpu.memory_space<vmem>>, vector<16xf32>,
        %parallel_loop3A_146 = arith.select %parallel_loop3A_109, %parallel_loop3A_145, %parallel_loop3A_142 : vector<16xi1>, vector<16xf32>
        %parallel_loop3A_147 = arith.index_cast %parallel_loop3A_98 : i32 to index
        %parallel_loop3A_148 = arith.constant 48 : index
        %parallel_loop3A_149 = tpu.vector_load %arg9[%parallel_loop3A_147, %parallel_loop3A_148] {strides = array<i32>} : memref<50x64xf32, #tpu.memory_space<vmem>>, vector<16xf32>,
        tpu.vector_store %arg9[%parallel_loop3A_147, %parallel_loop3A_148], %parallel_loop3A_146 {strides = array<i32>} : memref<50x64xf32, #tpu.memory_space<vmem>>, vector<16xf32>,
      } {sc.loop_unroll_factor = 8 : i64, sc.parallel_access}
      %add3A_56 = arith.addi %multiple_of3A, %mul3A_33 : i32
      %dma_start3A_57 = arith.constant 0 : i32
      %dma_start3A_58 = arith.constant 0 : i32
      %dma_start3A_59 = tpu.memref_slice %arg4[%add3A_56, %dma_start3A_57, %dma_start3A_58] : memref<4096x50x64xf32, #tpu.memory_space<hbm>> -> memref<1x50x64xf32, #tpu.memory_space<hbm>>
      %dma_start3A_60 = tpu.memref_squeeze %dma_start3A_59 : memref<1x50x64xf32, #tpu.memory_space<hbm>> -> memref<50x64xf32, #tpu.memory_space<hbm>>
      %dma_start3A_61 = arith.constant 0 : i32
      %dma_start3A_62 = arith.constant 0 : i32
      %dma_start3A_63 = tpu.memref_slice %arg4[%add3A_56, %dma_start3A_61, %dma_start3A_62] : memref<4096x50x64xf32, #tpu.memory_space<hbm>> -> memref<1x50x64xf32, #tpu.memory_space<hbm>>
      %dma_start3A_64 = tpu.memref_squeeze %dma_start3A_63 : memref<1x50x64xf32, #tpu.memory_space<hbm>> -> memref<50x64xf32, #tpu.memory_space<hbm>>
      tpu.enqueue_dma source(%arg9 : memref<50x64xf32, #tpu.memory_space<vmem>>) target(%dma_start3A_64 : memref<50x64xf32, #tpu.memory_space<hbm>>) target_semaphore(%arg13 : memref<!tpu.dma_semaphore, #tpu.memory_space<semaphore_mem>>)
      %add3A_65 = arith.constant 1 : i32
      %add3A_66 = arith.addi %scan3A_31, %add3A_65 : i32
      %lt3A = arith.constant 64 : i32
      %lt3A_67 = arith.cmpi slt, %add3A_66, %lt3A : i32
      %convert_element_type3A_68 = arith.extui %lt3A_67 : i1 to i32
      %cond3A_69 = arith.constant 0 : i32
      %cond3A_70 = arith.cmpi ne, %convert_element_type3A_68, %cond3A_69 : i32
      scf.if %cond3A_70 {
        %add3A_98 = arith.constant 2 : i32
        %add3A_99 = arith.addi %mul3A_33, %add3A_98 : i32
        %dma_start3A_100 = arith.constant 0 : i32
        %dma_start3A_101 = tpu.memref_slice %arg6[%add3A_99, %dma_start3A_100] : memref<128x50xi32, #tpu.memory_space<vmem>> -> memref<1x50xi32, #tpu.memory_space<vmem>>
        %dma_start3A_102 = tpu.memref_squeeze %dma_start3A_101 : memref<1x50xi32, #tpu.memory_space<vmem>> -> memref<50xi32, #tpu.memory_space<vmem>>
        %dma_start3A_103 = arith.constant 0 : i32
        %dma_start3A_104 = arith.constant 0 : i32
        %dma_start3A_105 = tpu.memref_slice %arg2[%dma_start3A_103, %dma_start3A_104] : memref<500000x128xf32, #tpu.memory_space<hbm>> -> memref<500000x128xf32, #tpu.memory_space<hbm>>
        tpu.enqueue_indirect_dma source(%dma_start3A_105 : memref<500000x128xf32, #tpu.memory_space<hbm>>) target(%arg7 : memref<50x128xf32, #tpu.memory_space<vmem>>) offsets(%dma_start3A_102 : memref<50xi32, #tpu.memory_space<vmem>>) semaphore(%arg11 : memref<!tpu.dma_semaphore, #tpu.memory_space<semaphore_mem>>)
      } else {
      }
      %dma_wait3A_71 = arith.constant 0 : i32
      %dma_wait3A_72 = tpu.memref_slice %arg6[%add3A_35, %dma_wait3A_71] : memref<128x50xi32, #tpu.memory_space<vmem>> -> memref<1x50xi32, #tpu.memory_space<vmem>>
      %dma_wait3A_73 = tpu.memref_squeeze %dma_wait3A_72 : memref<1x50xi32, #tpu.memory_space<vmem>> -> memref<50xi32, #tpu.memory_space<vmem>>
      %dma_wait3A_74 = arith.constant 0 : i32
      %dma_wait3A_75 = arith.constant 0 : i32
      %dma_wait3A_76 = tpu.memref_slice %arg2[%dma_wait3A_74, %dma_wait3A_75] : memref<500000x128xf32, #tpu.memory_space<hbm>> -> memref<500000x128xf32, #tpu.memory_space<hbm>>
      tpu.wait_indirect_dma semaphore(%arg12 : memref<!tpu.dma_semaphore, #tpu.memory_space<semaphore_mem>>) src(%dma_wait3A_76 : memref<500000x128xf32, #tpu.memory_space<hbm>>) dst(%arg8 : memref<50x128xf32, #tpu.memory_space<vmem>>)
      %ge3A_77 = arith.constant 1 : i32
      %ge3A_78 = arith.cmpi sge, %scan3A_31, %ge3A_77 : i32
      %convert_element_type3A_79 = arith.extui %ge3A_78 : i1 to i32
      %cond3A_80 = arith.constant 0 : i32
      %cond3A_81 = arith.cmpi ne, %convert_element_type3A_79, %cond3A_80 : i32
      scf.if %cond3A_81 {
        %dma_wait3A_98 = arith.constant 0 : i32
        %dma_wait3A_99 = arith.constant 0 : i32
        %dma_wait3A_100 = tpu.memref_slice %arg4[%multiple_of3A, %dma_wait3A_98, %dma_wait3A_99] : memref<4096x50x64xf32, #tpu.memory_space<hbm>> -> memref<1x50x64xf32, #tpu.memory_space<hbm>>
        %dma_wait3A_101 = tpu.memref_squeeze %dma_wait3A_100 : memref<1x50x64xf32, #tpu.memory_space<hbm>> -> memref<50x64xf32, #tpu.memory_space<hbm>>
        %dma_wait3A_102 = arith.constant 0 : i32
        %dma_wait3A_103 = arith.constant 0 : i32
        %dma_wait3A_104 = tpu.memref_slice %arg4[%multiple_of3A, %dma_wait3A_102, %dma_wait3A_103] : memref<4096x50x64xf32, #tpu.memory_space<hbm>> -> memref<1x50x64xf32, #tpu.memory_space<hbm>>
        %dma_wait3A_105 = tpu.memref_squeeze %dma_wait3A_104 : memref<1x50x64xf32, #tpu.memory_space<hbm>> -> memref<50x64xf32, #tpu.memory_space<hbm>>
        tpu.wait_dma2 semaphore(%arg14 : memref<!tpu.dma_semaphore, #tpu.memory_space<semaphore_mem>>) src(%arg10 : memref<50x64xf32, #tpu.memory_space<vmem>>) dst(%dma_wait3A_105 : memref<50x64xf32, #tpu.memory_space<hbm>>)
      } else {
      }
      %broadcast_in_dim3A_82 = arith.constant 0 : i32
      %broadcast_in_dim3A_83 = vector.broadcast %broadcast_in_dim3A_82 : i32 to vector<16xi32>
      %add3A_84 = vector.broadcast %add3A_35 : i32 to vector<16xi32>
      %add3A_85 = arith.addi %broadcast_in_dim3A_83, %add3A_84 : vector<16xi32>
      %parallel_loop3A_86 = arith.constant 0 : i32
      %parallel_loop3A_87 = arith.constant 50 : i32
      %parallel_loop3A_88 = arith.constant 1 : i32
      scf.for %parallel_loop3A_98 = %parallel_loop3A_86 to %parallel_loop3A_87 step %parallel_loop3A_88  : i32 {
        %parallel_loop3A_99 = arith.constant 0 : i32
        %parallel_loop3A_100 = vector.broadcast %parallel_loop3A_99 : i32 to vector<16xi32>
        %parallel_loop3A_101 = vector.broadcast %parallel_loop3A_98 : i32 to vector<16xi32>
        %parallel_loop3A_102 = arith.addi %parallel_loop3A_100, %parallel_loop3A_101 : vector<16xi32>
        %parallel_loop3A_103 = tpu.vector_load_idx %arg5[%parallel_loop3A_102, %add3A_85] : memref<50x128xi32, #tpu.memory_space<vmem>>[vector<16xi32>, vector<16xi32>], vector<16xi32>,
        %parallel_loop3A_104 = arith.constant 1 : i32
        %parallel_loop3A_105 = vector.broadcast %parallel_loop3A_104 : i32 to vector<16xi32>
        %parallel_loop3A_106 = arith.andi %parallel_loop3A_103, %parallel_loop3A_105 : vector<16xi32>
        %parallel_loop3A_107 = arith.constant 0 : i32
        %parallel_loop3A_108 = vector.broadcast %parallel_loop3A_107 : i32 to vector<16xi32>
        %parallel_loop3A_109 = arith.cmpi sgt, %parallel_loop3A_106, %parallel_loop3A_108 : vector<16xi32>
        %parallel_loop3A_110 = arith.index_cast %parallel_loop3A_98 : i32 to index
        %parallel_loop3A_111 = arith.constant 0 : index
        %parallel_loop3A_112 = tpu.vector_load %arg8[%parallel_loop3A_110, %parallel_loop3A_111] {strides = array<i32>} : memref<50x128xf32, #tpu.memory_space<vmem>>, vector<16xf32>,
        %parallel_loop3A_113 = arith.index_cast %parallel_loop3A_98 : i32 to index
        %parallel_loop3A_114 = arith.constant 64 : index
        %parallel_loop3A_115 = tpu.vector_load %arg8[%parallel_loop3A_113, %parallel_loop3A_114] {strides = array<i32>} : memref<50x128xf32, #tpu.memory_space<vmem>>, vector<16xf32>,
        %parallel_loop3A_116 = arith.select %parallel_loop3A_109, %parallel_loop3A_115, %parallel_loop3A_112 : vector<16xi1>, vector<16xf32>
        %parallel_loop3A_117 = arith.index_cast %parallel_loop3A_98 : i32 to index
        %parallel_loop3A_118 = arith.constant 0 : index
        %parallel_loop3A_119 = tpu.vector_load %arg10[%parallel_loop3A_117, %parallel_loop3A_118] {strides = array<i32>} : memref<50x64xf32, #tpu.memory_space<vmem>>, vector<16xf32>,
        tpu.vector_store %arg10[%parallel_loop3A_117, %parallel_loop3A_118], %parallel_loop3A_116 {strides = array<i32>} : memref<50x64xf32, #tpu.memory_space<vmem>>, vector<16xf32>,
        %parallel_loop3A_120 = arith.index_cast %parallel_loop3A_98 : i32 to index
        %parallel_loop3A_121 = arith.constant 16 : index
        %parallel_loop3A_122 = tpu.vector_load %arg8[%parallel_loop3A_120, %parallel_loop3A_121] {strides = array<i32>} : memref<50x128xf32, #tpu.memory_space<vmem>>, vector<16xf32>,
        %parallel_loop3A_123 = arith.index_cast %parallel_loop3A_98 : i32 to index
        %parallel_loop3A_124 = arith.constant 80 : index
        %parallel_loop3A_125 = tpu.vector_load %arg8[%parallel_loop3A_123, %parallel_loop3A_124] {strides = array<i32>} : memref<50x128xf32, #tpu.memory_space<vmem>>, vector<16xf32>,
        %parallel_loop3A_126 = arith.select %parallel_loop3A_109, %parallel_loop3A_125, %parallel_loop3A_122 : vector<16xi1>, vector<16xf32>
        %parallel_loop3A_127 = arith.index_cast %parallel_loop3A_98 : i32 to index
        %parallel_loop3A_128 = arith.constant 16 : index
        %parallel_loop3A_129 = tpu.vector_load %arg10[%parallel_loop3A_127, %parallel_loop3A_128] {strides = array<i32>} : memref<50x64xf32, #tpu.memory_space<vmem>>, vector<16xf32>,
        tpu.vector_store %arg10[%parallel_loop3A_127, %parallel_loop3A_128], %parallel_loop3A_126 {strides = array<i32>} : memref<50x64xf32, #tpu.memory_space<vmem>>, vector<16xf32>,
        %parallel_loop3A_130 = arith.index_cast %parallel_loop3A_98 : i32 to index
        %parallel_loop3A_131 = arith.constant 32 : index
        %parallel_loop3A_132 = tpu.vector_load %arg8[%parallel_loop3A_130, %parallel_loop3A_131] {strides = array<i32>} : memref<50x128xf32, #tpu.memory_space<vmem>>, vector<16xf32>,
        %parallel_loop3A_133 = arith.index_cast %parallel_loop3A_98 : i32 to index
        %parallel_loop3A_134 = arith.constant 96 : index
        %parallel_loop3A_135 = tpu.vector_load %arg8[%parallel_loop3A_133, %parallel_loop3A_134] {strides = array<i32>} : memref<50x128xf32, #tpu.memory_space<vmem>>, vector<16xf32>,
        %parallel_loop3A_136 = arith.select %parallel_loop3A_109, %parallel_loop3A_135, %parallel_loop3A_132 : vector<16xi1>, vector<16xf32>
        %parallel_loop3A_137 = arith.index_cast %parallel_loop3A_98 : i32 to index
        %parallel_loop3A_138 = arith.constant 32 : index
        %parallel_loop3A_139 = tpu.vector_load %arg10[%parallel_loop3A_137, %parallel_loop3A_138] {strides = array<i32>} : memref<50x64xf32, #tpu.memory_space<vmem>>, vector<16xf32>,
        tpu.vector_store %arg10[%parallel_loop3A_137, %parallel_loop3A_138], %parallel_loop3A_136 {strides = array<i32>} : memref<50x64xf32, #tpu.memory_space<vmem>>, vector<16xf32>,
        %parallel_loop3A_140 = arith.index_cast %parallel_loop3A_98 : i32 to index
        %parallel_loop3A_141 = arith.constant 48 : index
        %parallel_loop3A_142 = tpu.vector_load %arg8[%parallel_loop3A_140, %parallel_loop3A_141] {strides = array<i32>} : memref<50x128xf32, #tpu.memory_space<vmem>>, vector<16xf32>,
        %parallel_loop3A_143 = arith.index_cast %parallel_loop3A_98 : i32 to index
        %parallel_loop3A_144 = arith.constant 112 : index
        %parallel_loop3A_145 = tpu.vector_load %arg8[%parallel_loop3A_143, %parallel_loop3A_144] {strides = array<i32>} : memref<50x128xf32, #tpu.memory_space<vmem>>, vector<16xf32>,
        %parallel_loop3A_146 = arith.select %parallel_loop3A_109, %parallel_loop3A_145, %parallel_loop3A_142 : vector<16xi1>, vector<16xf32>
        %parallel_loop3A_147 = arith.index_cast %parallel_loop3A_98 : i32 to index
        %parallel_loop3A_148 = arith.constant 48 : index
        %parallel_loop3A_149 = tpu.vector_load %arg10[%parallel_loop3A_147, %parallel_loop3A_148] {strides = array<i32>} : memref<50x64xf32, #tpu.memory_space<vmem>>, vector<16xf32>,
        tpu.vector_store %arg10[%parallel_loop3A_147, %parallel_loop3A_148], %parallel_loop3A_146 {strides = array<i32>} : memref<50x64xf32, #tpu.memory_space<vmem>>, vector<16xf32>,
      } {sc.loop_unroll_factor = 8 : i64, sc.parallel_access}
      %add3A_89 = arith.addi %multiple_of3A, %add3A_35 : i32
      %dma_start3A_90 = arith.constant 0 : i32
      %dma_start3A_91 = arith.constant 0 : i32
      %dma_start3A_92 = tpu.memref_slice %arg4[%add3A_89, %dma_start3A_90, %dma_start3A_91] : memref<4096x50x64xf32, #tpu.memory_space<hbm>> -> memref<1x50x64xf32, #tpu.memory_space<hbm>>
      %dma_start3A_93 = tpu.memref_squeeze %dma_start3A_92 : memref<1x50x64xf32, #tpu.memory_space<hbm>> -> memref<50x64xf32, #tpu.memory_space<hbm>>
      %dma_start3A_94 = arith.constant 0 : i32
      %dma_start3A_95 = arith.constant 0 : i32
      %dma_start3A_96 = tpu.memref_slice %arg4[%add3A_89, %dma_start3A_94, %dma_start3A_95] : memref<4096x50x64xf32, #tpu.memory_space<hbm>> -> memref<1x50x64xf32, #tpu.memory_space<hbm>>
      %dma_start3A_97 = tpu.memref_squeeze %dma_start3A_96 : memref<1x50x64xf32, #tpu.memory_space<hbm>> -> memref<50x64xf32, #tpu.memory_space<hbm>>
      tpu.enqueue_dma source(%arg10 : memref<50x64xf32, #tpu.memory_space<vmem>>) target(%dma_start3A_97 : memref<50x64xf32, #tpu.memory_space<hbm>>) target_semaphore(%arg14 : memref<!tpu.dma_semaphore, #tpu.memory_space<semaphore_mem>>)
    }
    %scan3A_15 = arith.constant 64 : i32
    %dma_wait3A = arith.constant 0 : i32
    %dma_wait3A_16 = arith.constant 0 : i32
    %dma_wait3A_17 = tpu.memref_slice %arg4[%multiple_of3A, %dma_wait3A, %dma_wait3A_16] : memref<4096x50x64xf32, #tpu.memory_space<hbm>> -> memref<1x50x64xf32, #tpu.memory_space<hbm>>
    %dma_wait3A_18 = tpu.memref_squeeze %dma_wait3A_17 : memref<1x50x64xf32, #tpu.memory_space<hbm>> -> memref<50x64xf32, #tpu.memory_space<hbm>>
    %dma_wait3A_19 = arith.constant 0 : i32
    %dma_wait3A_20 = arith.constant 0 : i32
    %dma_wait3A_21 = tpu.memref_slice %arg4[%multiple_of3A, %dma_wait3A_19, %dma_wait3A_20] : memref<4096x50x64xf32, #tpu.memory_space<hbm>> -> memref<1x50x64xf32, #tpu.memory_space<hbm>>
    %dma_wait3A_22 = tpu.memref_squeeze %dma_wait3A_21 : memref<1x50x64xf32, #tpu.memory_space<hbm>> -> memref<50x64xf32, #tpu.memory_space<hbm>>
    tpu.wait_dma2 semaphore(%arg13 : memref<!tpu.dma_semaphore, #tpu.memory_space<semaphore_mem>>) src(%arg9 : memref<50x64xf32, #tpu.memory_space<vmem>>) dst(%dma_wait3A_22 : memref<50x64xf32, #tpu.memory_space<hbm>>)
    %dma_wait3A_23 = arith.constant 0 : i32
    %dma_wait3A_24 = arith.constant 0 : i32
    %dma_wait3A_25 = tpu.memref_slice %arg4[%multiple_of3A, %dma_wait3A_23, %dma_wait3A_24] : memref<4096x50x64xf32, #tpu.memory_space<hbm>> -> memref<1x50x64xf32, #tpu.memory_space<hbm>>
    %dma_wait3A_26 = tpu.memref_squeeze %dma_wait3A_25 : memref<1x50x64xf32, #tpu.memory_space<hbm>> -> memref<50x64xf32, #tpu.memory_space<hbm>>
    %dma_wait3A_27 = arith.constant 0 : i32
    %dma_wait3A_28 = arith.constant 0 : i32
    %dma_wait3A_29 = tpu.memref_slice %arg4[%multiple_of3A, %dma_wait3A_27, %dma_wait3A_28] : memref<4096x50x64xf32, #tpu.memory_space<hbm>> -> memref<1x50x64xf32, #tpu.memory_space<hbm>>
    %dma_wait3A_30 = tpu.memref_squeeze %dma_wait3A_29 : memref<1x50x64xf32, #tpu.memory_space<hbm>> -> memref<50x64xf32, #tpu.memory_space<hbm>>
    tpu.wait_dma2 semaphore(%arg14 : memref<!tpu.dma_semaphore, #tpu.memory_space<semaphore_mem>>) src(%arg10 : memref<50x64xf32, #tpu.memory_space<vmem>>) dst(%dma_wait3A_30 : memref<50x64xf32, #tpu.memory_space<hbm>>)
    return
  }
}

</mosaic_0001>

<sc_bundles>
// kernel: kernel.3.cloned.1.call-start
scs
__scs_entry_jumppad:
0x0: {  	(pc) =	sbr.rel $0x88, $3  }
0x1: {  	(tag) =	ssettag $0x0;
	lr =	simm.s32 $0x1  }
0x2: {  	[smem:$0x3F9F] =	sst lr;
	_ =	strace $0xD0000000  }
0x3: {  	_ = 	snop  }
0x4: {  	_ = 	snop  }
0x5: {  	_ = 	snop  }
0x6: {  	_ = 	snop  }
0x7: {  	_ = 	snop  }
__scs_overlays_trampoline_lowered:
0x8: {  	[smem:$0x3FAE] =	sst s0  }
0x9: {  	[smem:$0x3FAF] =	sst s1  }
0xa: {  	[smem:$0x3FB0] =	sst s2  }
0xb: {  	[smem:$0x3FB1] =	sst s3  }
0xc: {  	[smem:$0x3FB2] =	sst s4  }
0xd: {  	[smem:$0x3FB3] =	sst s5  }
0xe: {  	[smem:$0x3FB4] =	sst s6  }
0xf: {  	[smem:$0x3FB5] =	sst s7  }
0x10: {  	[smem:$0x3FB6] =	sst s8  }
0x11: {  	[smem:$0x3FB7] =	sst s9;
	s0 =	simm.s32 @!p0 $0x0  }
0x12: {  	s1 =	sld [smem:$0x3F9D];
	s0 =	simm.s32 @p0 $0x1  }
0x13: {  	[smem:$0x3FB8] =	sst s0;
	s0 =	simm.s32 @!p1 $0x0  }
0x14: {  	s2 =	sld [smem:$0x3F9C];
	s0 =	simm.s32 @p1 $0x1  }
0x15: {  	[smem:$0x3FB9] =	sst s0;
	s0 =	simm.s32 @!p2 $0x0  }
0x16: {  	s3 =	sld [smem:$0x3FDB];
	s0 =	simm.s32 @p2 $0x1  }
0x17: {  	s4 =	simm.s32 $0x1BF5;
	[smem:$0x3FBB] =	sst s0  }
0x18: {  	s0 =	sld [smem:$0x3F9E];
	_ =	swait.ge [sflag:s4], $0x0  }
0x19: {  	s7 =	sld [smem:$0x3F9F]  }
0x1a: {  	s8 =	sadd.s32 $0xFFFFE003, lr  }
0x1b: {  	s9 =	sadd.s32 $0xFFFFFEF7, lr;
	s5 =	simm.s32 $0xFFFFFFFF;
	p2 =	slt.u32 s8, $0xFFFFF086  }
0x1c: {  	p1 =	slt.u32 s9, $0xF7A;
	s5 =	simm.s32 @!p2 $0x0  }
0x1d: {  	s5 =	simm.s32 @p1 $0x1;
	p0 =	seq.s32 s7, s2  }
0x1e: {  	s7 =	smul.u32 @!p0 $0xF7A, s2;
	p2 =	seq.s32 @!p0 s5, $0x0  }
0x1f: {  	s9 =	smul.u32 $0xF7A, s1;
	s8 =	simm.s32 @!p0 $0x1BF5;
	p2 =	por !p2, p0  }
0x20: {  	[sflag:s8] =	ssyncset.s32 @!p0 $0xFFFFF086;
	s6 =	sadd.s32 @!p0 s3, s7;
	s7 =	simm.s32 @!p0 $0x108  }
0x21: {  	s3 =	sadd.s32 s3, s9;
	s6 =	sadd.s32 @!p0 $0x88, s6;
	s7 =	simm.s32 @p2 $0x1082  }
0x22: {  	[simem:s7], [sflag:s8] =	dma.local @!p0 [hbm:s6], $0xF7A  }
0x23: {  	s9 =	sor.u32 $0xD0000000, s2;
	s6 =	simm.s32 $0x108;
	_ =	swait.ge @!p0 [sflag:s8], $0x0  }
0x24: {  	s3 =	sadd.s32 $0x88, s3;
	s6 =	simm.s32 @!p1 $0x1082;
	[sflag:s4] =	ssyncset.s32 $0xFFFFF086  }
0x25: {  	[simem:s6], [sflag:s4] =	dma.local [hbm:s3], $0xF7A  }
0x26: {  	[smem:$0x3F9F] =	sst s1;
	(tag) =	ssettag s2;
	_ =	strace s9  }
0x27: {  	s1 =	sld [smem:$0x3FAF]  }
0x28: {  	s2 =	sld [smem:$0x3FB0]  }
0x29: {  	s4 =	sld [smem:$0x3FB2]  }
0x2a: {  	p0 =	seq.s32 s5, $0x0;
	s5 =	sld [smem:$0x3FB3]  }
0x2b: {  	s6 =	sld [smem:$0x3FB4]  }
0x2c: {  	s7 =	sld [smem:$0x3FB5]  }
0x2d: {  	s3 =	simm.s32 $0x108;
	s8 =	sld [smem:$0x3FB6]  }
0x2e: {  	s3 =	simm.s32 @!p0 $0x1082;
	s9 =	sld [smem:$0x3FB7]  }
0x2f: {  	lr =	sadd.s32 s0, s3;
	s0 =	sld [smem:$0x3FAE]  }
0x30: {  	s3 =	sld [smem:$0x3FB1]  }
0x31: {  	[smem:$0x3FBA] =	sst s10  }
0x32: {  	s10 =	sld [smem:$0x3FB8];
	_ =	sdelay $0x3  }
0x33: {  	p0 =	seq.s32 s10, $0x1;
	s10 =	sld [smem:$0x3FBA];
	_ =	sdelay $0x3  }
0x34: {  	[smem:$0x3FBA] =	sst s10  }
0x35: {  	s10 =	sld [smem:$0x3FB9];
	_ =	sdelay $0x3  }
0x36: {  	p1 =	seq.s32 s10, $0x1;
	s10 =	sld [smem:$0x3FBA];
	_ =	sdelay $0x3  }
0x37: {  	[smem:$0x3FBA] =	sst s10  }
0x38: {  	s10 =	sld [smem:$0x3FBB]  }
0x39: {  	_ = 	snop;
	(pc) =	sbr.ind lr, $3  }
0x3a: {  	_ = 	snop  }
0x3b: {  	_ = 	snop  }
0x3c: {  	p2 =	seq.s32 s10, $0x1;
	s10 =	sld [smem:$0x3FBA]  }
0x3d: {  	_ =	shalt  }
0x3e: {  	_ =	shalt  }
0x3f: {  	_ =	shalt  }
0x40: {  	_ =	shalt  }
0x41: {  	_ =	shalt  }
0x42: {  	_ =	shalt  }
0x43: {  	_ =	shalt  }
0x44: {  	_ =	shalt  }
0x45: {  	_ =	shalt  }
0x46: {  	_ =	shalt  }
0x47: {  	_ =	shalt  }
0x48: {  	_ =	shalt  }
0x49: {  	_ =	shalt  }
0x4a: {  	_ =	shalt  }
0x4b: {  	_ =	shalt  }
0x4c: {  	_ =	shalt  }
0x4d: {  	_ =	shalt  }
0x4e: {  	_ =	shalt  }
0x4f: {  	_ =	shalt  }
0x50: {  	_ =	shalt  }
0x51: {  	_ =	shalt  }
0x52: {  	_ =	shalt  }
0x53: {  	_ =	shalt  }
0x54: {  	_ =	shalt  }
0x55: {  	_ =	shalt  }
0x56: {  	_ =	shalt  }
0x57: {  	_ =	shalt  }
0x58: {  	_ =	shalt  }
0x59: {  	_ =	shalt  }
0x5a: {  	_ =	shalt  }
0x5b: {  	_ =	shalt  }
0x5c: {  	_ =	shalt  }
0x5d: {  	_ =	shalt  }
0x5e: {  	_ =	shalt  }
0x5f: {  	_ =	shalt  }
0x60: {  	_ =	shalt  }
0x61: {  	_ =	shalt  }
0x62: {  	_ =	shalt  }
0x63: {  	_ =	shalt  }
0x64: {  	_ =	shalt  }
0x65: {  	_ =	shalt  }
0x66: {  	_ =	shalt  }
0x67: {  	_ =	shalt  }
0x68: {  	_ =	shalt  }
0x69: {  	_ =	shalt  }
0x6a: {  	_ =	shalt  }
0x6b: {  	_ =	shalt  }
0x6c: {  	_ =	shalt  }
0x6d: {  	_ =	shalt  }
0x6e: {  	_ =	shalt  }
0x6f: {  	_ =	shalt  }
0x70: {  	_ =	shalt  }
0x71: {  	_ =	shalt  }
0x72: {  	_ =	shalt  }
0x73: {  	_ =	shalt  }
0x74: {  	_ =	shalt  }
0x75: {  	_ =	shalt  }
0x76: {  	_ =	shalt  }
0x77: {  	_ =	shalt  }
0x78: {  	_ =	shalt  }
0x79: {  	_ =	shalt  }
0x7a: {  	_ =	shalt  }
0x7b: {  	_ =	shalt  }
0x7c: {  	_ =	shalt  }
0x7d: {  	_ =	shalt  }
0x7e: {  	_ =	shalt  }
0x7f: {  	_ =	shalt  }
0x80: {  	_ =	shalt  }
0x81: {  	_ =	shalt  }
0x82: {  	_ =	shalt  }
0x83: {  	_ =	shalt  }
0x84: {  	_ =	shalt  }
0x85: {  	_ =	shalt  }
0x86: {  	_ =	shalt  }
0x87: {  	_ =	shalt  }
.Lfunc_end0:
.L_simem_size_0:
called_computation_lowered:
.L_overlay_start_0:
0x88: {  	s2 =	sld [smem:$0x3FD9]  }
0x89: {  	s3 =	sld [smem:$0x3FFE];
	_ =	sdelay $0x1  }
0x8a: {  	s1 =	srdreg.scid  }
0x8b: {  	s0 =	sand.u32 $0x1, s1  }
0x8c: {  	s17 =	sshll.u32 s0, $0xA;
	s2 =	sadd.s32 s3, s2  }
0x8d: {  	s2 =	sadd.s32 s2, s17  }
0x8e: {  	[smem:$0x3FC6] =	sst s2  }
0x8f: {  	_ = 	snop  }
0x90: {  	s2 =	sld [smem:$0x3FC9];
	(tm) =	ssettm $0x1  }
0x91: {  	s18 =	sld [smem:$0x3FFB];
	_ =	sdelay $0x3  }
0x92: {  	_ =	strace s18  }
0x93: {  	s3 =	sld [smem:$0x3FFC];
	_ =	sdelay $0x3  }
0x94: {  	_ =	strace s3  }
0x95: {  	s3 =	sld [smem:$0x3FFD];
	_ =	sdelay $0x3  }
0x96: {  	_ =	strace s3  }
0x97: {  	_ =	strace $0x8FFFFFFF  }
0x98: {  	s19 =	sld [smem:$0x3FDB];
	_ =	sdelay $0x1  }
0x99: {  	s4 =	simm.s32 $_scs_section_size  }
0x9a: {  	s5 =	simm.s32 $_size__tile_overlayer_lowered;
	s6 =	simm.s32 $_tile_overlayer_lowered  }
0x9b: {  	s22 =	simm.s32 $0x1BFF;
	s21 =	sshll.u32 s6, $0x1;
	s3 =	sadd.s32 s4, s19  }
0x9c: {  	s7 =	simm.s32 $0x0;
	s20 =	sshll.u32 s5, $0x1;
	s5 =	sadd.s32 s21, s3  }
0x9d: {  	[timem:s7], [sflag:s22] =	dma.local [hbm:s5], s20  }
0x9e: {  	_ =	swait.ge [sflag:s22], s20  }
0x9f: {  	s4 =	ssub.s32 $0x0, s20;
	[sflag:s22] =	ssyncset.done $0x0  }
0xa0: {  	[sflag:s22] =	ssyncadd.s32 s4;
	_ =	sdelay $0x1  }
0xa1: {  	s23 =	simm.s32 $0x1B8B  }
0xa2: {  	_ =	swait.ge [sflag:s23], $0x1  }
0xa3: {  	[sflag:s23] =	ssyncset.done $0x0  }
0xa4: {  	s25 =	simm.s32 $0x1B8E;
	s24 =	sld [smem:$0x3FFE];
	[sflag:s23] =	ssyncadd.s32 $0xFFFFFFFF  }
0xa5: {  	s26 =	simm.s32 $execute0_lowered;
	[smem:$0x3FD2] =	sst s25  }
0xa6: {  	s5 =	sshll.u32 s26, $0x1;
	_ =	strace $0x80000046;
	[dreg:$0x1] =	wrdreg $0xFFFFFFFF  }
0xa7: {  	s28 =	simm.s32 $_size_execute0_lowered;
	s3 =	sadd.s32 s3, s5;
	[dreg:$0x0] =	wrdreg $0x0  }
0xa8: {  	s5 =	sshll.u32 s28, $0x1;
	[dreg:$0x2] =	wrdreg s3  }
0xa9: {  	[dreg:$0x3] =	wrdreg s5  }
0xaa: {  	[dreg:$0x4] =	wrdreg $0xC0  }
0xab: {  	_ =	task [dreg:s7], $0x5FFFF  }
0xac: {  	[dreg:$0x1] =	wrdreg $0xFFFFFFFF  }
0xad: {  	[dreg:$0x0] =	wrdreg $0x60  }
0xae: {  	[dreg:$0x2] =	wrdreg s24  }
0xaf: {  	[dreg:$0x3] =	wrdreg s2  }
0xb0: {  	[dreg:$0x4] =	wrdreg $0x9  }
0xb1: {  	_ =	task.clear_ibuf [dreg:s7], $0x5FFFF;
	_ =	strace $0x90000046  }
0xb2: {  	s29 =	simm.s32 $0x9;
	_ =	strace $0x80000048  }
0xb3: {  	_ =	swait.ge [sflag:s29], $0x1  }
0xb4: {  	[sflag:s29] =	ssyncadd.s32 $0xFFFFFFFF  }
0xb5: {  	_ =	strace $0x90000048  }
0xb6: {  	_ =	sfence  }
0xb7: {  	s30 =	sld [smem:$0x0];
	_ =	sdelay $0x2  }
0xb8: {  	s31 =	sshll.u32 s1, $0xD;
	s1 =	sshrl.u32 s1, $0x2  }
0xb9: {  	s3 =	sand.u32 $0x4000, s31;
	s1 =	sadd.s32 s1, s30  }
0xba: {  	s0 =	sor.u32 s3, s0;
	s1 =	sshll.u32 s1, $0x11  }
0xbb: {  	s0 =	sor.u32 s1, s0  }
0xbc: {  	s0 =	sadd.s32 $0x8F2B, s0  }
0xbd: {  	[sflag:s0] =	ssyncadd.remote.s32 $0x1  }
0xbe: {  	_ =	sfence.sel $0xFFFF  }
0xbf: {  	[dreg:$0x0] =	wrdreg $0xFFFFFFFF;
	(pc) =	sbr.abs _section_cstart, $3  }
0xc0: {  	[dreg:$0x1] =	wrdreg $0xFFFFFFFF  }
0xc1: {  	_ =	task.clear_ibuf [dreg:s7], $0x2FFFF;
	_ =	strace $0x9FFFFFFF  }
0xc2: {  	(tm) =	ssettm $0x7FFFFFFF  }
0xc3: {  	_ =	shalt  }
tec
execute0_lowered:
.L_overlay_start_1:
0x0: {  	(tag) =	ssettag $0x1  }
0x1: {  	s0 =	rddreg [dreg:$0x0]  }
0x2: {  	s5 =	rddreg [dreg:$0x1]  }
0x3: {  	s2 =	simm.s32 $0x0;
	s3 =	srdreg.scid;
	s1 =	stileid.u32  }
0x4: {  	s11 =	simm.s32 $0x1800;
	s12 =	simm.s32 $0x5;
	s13 =	simm.s32 $0x1C00  }
0x5: {  	s14 =	simm.s32 $0x32;
	s15 =	simm.s32 $0x5C00;
	s16 =	simm.s32 $0x7800  }
0x6: {  	s17 =	simm.s32 $0x1;
	s18 =	simm.s32 $0x9400;
	s19 =	simm.s32 $0x2  }
0x7: {  	s20 =	simm.s32 $0x4;
	s21 =	simm.s32 $0xB000;
	s22 =	simm.s32 $0x3  }
0x8: {  	s23 =	simm.s32 $0x0;
	[smem:$0x7FF] =	sst s2;
	s3 =	sand.u32 $0x1, s3  }
0x9: {  	s4 =	sshll.u32 s1, $0x8;
	s6 =	ssub.s32 $0x2, s3;
	s3 =	sshll.u32 s3, $0x7  }
0xa: {  	_ =	strace $0x80000047;
	s7 =	sshrl.u32 s6, $0x1;
	s3 =	sor.u32 s3, s4  }
0xb: {  	s4 =	sadd.s32 $0xF42800, s0;
	s8 =	ssub.s32 s6, s7;
	s5 =	sadd.s32 s5, s3  }
0xc: {  	v0 =	vlaneseq.u32;
	v1 =	vimm.s32 $0x0;
	s6 =	sadd.s32 $0x400, s0;
	s7 =	sadd.s32 $0x6000, s5;
	s8 =	smax.u32 s8, $0x1  }
.LBB2_1:
0xd: {  	s0 =	simm.s32 $0x70  }
0xe: {  	s24 =	simm.s32 $0x0;
	v2 =	vor.u32 s0, v0  }
0xf: {  	s26 =	simm.s32 $0x10;
	v3 =	vor.u32 s24, v0;
	v4 =	vmulhi.u32 $0x51EB851F, v2  }
0x10: {  	s25 =	simm.s32 $0x20;
	v5 =	vor.u32 s26, v0;
	v6 =	vmulhi.u32 $0x51EB851F, v3  }
0x11: {  	s28 =	simm.s32 $0x30;
	v7 =	vor.u32 s25, v0;
	v12 =	vmulhi.u32 $0x51EB851F, v5  }
0x12: {  	s29 =	simm.s32 $0x40;
	s30 =	simm.s32 $0x60;
	v8 =	vor.u32 s28, v0;
	v14 =	vmulhi.u32 $0x51EB851F, v7  }
0x13: {  	s26 =	simm.s32 $0x50;
	v9 =	vor.u32 s29, v0;
	v11 =	vor.u32 s30, v0;
	v18 =	vmulhi.u32 $0x51EB851F, v8  }
0x14: {  	v16 =	vmov s24;
	v10 =	vor.u32 s26, v0;
	v19 =	vmulhi.u32 $0x51EB851F, v11  }
0x15: {  	v17 =	vsub.s32 $0x0, v3;
	vm0 =	veq.s32 v16, v0;
	v16 =	vmulhi.u32 $0x51EB851F, v10  }
0x16: {  	v6 =	vshrl.u32 v6, $0x4;
	v4 =	vshrl.u32 v4, $0x4;
	v12 =	vshrl.u32 v12, $0x4  }
0x17: {  	v14 =	vshrl.u32 v14, $0x4;
	v19 =	vshrl.u32 v19, $0x4;
	v13 =	vmul.u32 $0xFFFFFFCE, v6  }
0x18: {  	v15 =	vmul.u32 $0xFFFFFFCE, v4;
	v16 =	vshrl.u32 v16, $0x4;
	v20 =	vmul.u32 $0xFFFFFFCE, v12  }
0x19: {  	v21 =	vmul.u32 $0xFFFFFFCE, v14;
	v26 =	vmul.u32 $0xFFFFFFCE, v19;
	v37 =	vand.u32 $0x3FFFF80, v12  }
0x1a: {  	v28 =	vand.u32 $0x3FFFF80, v14;
	v42 =	vand.u32 $0x3FFFF80, v19;
	v30 =	vand.u32 $0x3FFFF80, v4  }
0x1b: {  	v46 =	vand.u32 $0x7F, v12;
	v47 =	vand.u32 $0x7F, v14;
	v51 =	vand.u32 $0x7F, v19  }
0x1c: {  	v52 =	vand.u32 $0x7F, v4;
	v12 =	vshll.u32 v12, $0x7;
	v14 =	vshll.u32 v14, $0x7  }
0x1d: {  	v19 =	vshll.u32 v19, $0x7;
	v23 =	vmul.u32 $0xFFFFFFCE, v16;
	v29 =	vand.u32 $0x3FFFF80, v16  }
0x1e: {  	v50 =	vand.u32 $0x7F, v16;
	v16 =	vshll.u32 v16, $0x7;
	vm1 =	vne.s32 v13, v17  }
0x1f: {  	v13 =	vmulhi.u32 $0x51EB851F, v9;
	v5 =	vadd.s32 v5, v20;
	v7 =	vadd.s32 v7, v21  }
0x20: {  	v11 =	vadd.s32 v11, v26;
	v15 =	vadd.s32 v2, v15;
	vm0 =	vmand vm0, vm1  }
0x21: {  	v10 =	vadd.s32 v10, v23;
	v35 =	vshll.u32 v5, $0x7;
	v21 =	vshll.u32 v7, $0x7  }
0x22: {  	v38 =	vshll.u32 v11, $0x7;
	v39 =	vshll.u32 v15, $0x7;
	v53 =	vand.u32 $0xFFFFFF80, v5  }
0x23: {  	v54 =	vand.u32 $0xFFFFFF80, v7;
	v58 =	vand.u32 $0xFFFFFF80, v11;
	v5 =	vand.u32 $0x7F, v5  }
0x24: {  	v7 =	vand.u32 $0x7F, v7;
	v61 =	vand.u32 $0x7F, v11;
	v63 =	vand.u32 $0x7F, v15  }
0x25: {  	v17 =	vsel vm0, $0xFFFFFFFF, v1;
	v13 =	vshrl.u32 v13, $0x4;
	v23 =	vshll.u32 v10, $0x7  }
0x26: {  	v21 =	vadd.s32 v28, v21;
	v44 =	vadd.s32 v42, v38;
	v45 =	vadd.s32 v30, v39  }
0x27: {  	v6 =	vadd.s32 v17, v6;
	v17 =	vshrl.u32 v18, $0x4;
	v33 =	vmul.u32 $0xFFFFFFCE, v13  }
0x28: {  	v18 =	vadd.s32 v37, v35;
	v43 =	vadd.s32 v29, v23;
	v21 =	vor.u32 v47, v21  }
0x29: {  	s31 =	simm.s32 $0x400;
	s1 =	simm.s32 $0x8000;
	v23 =	vor.u32 v51, v44;
	v32 =	vmul.u32 $0xFFFFFFCE, v6;
	v22 =	vmul.u32 $0xFFFFFFCE, v17  }
0x2a: {  	[tilespmem:s2], [sflag:$0x5] =	stream.strided.gather [hbm4b:s5+s31], $0x1800, s1, s31, $0x38;
	v24 =	vand.u32 $0xFFFFFF80, v6;
	v27 =	vand.u32 $0x7F, v6;
	v6 =	vshll.u32 v6, $0x7;
	[tilespmem:$0xCC00] =	vst v63  }
0x2b: {  	v41 =	vand.u32 $0x3FFFF80, v17;
	v48 =	vand.u32 $0x7F, v17;
	v18 =	vor.u32 v46, v18  }
0x2c: {  	v9 =	vadd.s32 v9, v33;
	v3 =	vadd.s32 v3, v32;
	v8 =	vadd.s32 v8, v22  }
0x2d: {  	[tilespmem:s11], [sflag:$0x5] =	stream.linear.gather [hbm4b:s7+s2], $0x100, $0x38;
	v36 =	vshll.u32 v9, $0x7;
	v22 =	vor.u32 v50, v43;
	v25 =	vshll.u32 v3, $0x7;
	[tilespmem:$0xCC00] =	vst v63  }
0x2e: {  	_ =	swait.ge [sflag:s12], $0x1900;
	v2 =	vshll.u32 v8, $0x7;
	v40 =	vand.u32 $0xFFFFFF80, v3;
	v3 =	vand.u32 $0x7F, v3  }
0x2f: {  	[sflag:s12] =	ssyncset.done $0x0;
	v24 =	vadd.s32 v24, v25;
	v6 =	vadd.s32 v6, v40;
	v2 =	vadd.s32 v41, v2  }
0x30: {  	[sflag:s12] =	ssyncadd.s32 $0xFFFFE700;
	v34 =	vor.u32 v27, v24;
	v3 =	vor.u32 v3, v6;
	v6 =	vand.u32 $0x3FFFF80, v13  }
0x31: {  	v49 =	vand.u32 $0x7F, v13;
	v21 =	vld.idx.msk [tilespmem:v21+s2+$0x0], $0xffff;
	v2 =	vor.u32 v48, v2;
	v6 =	vadd.s32 v6, v36  }
0x32: {  	v57 =	vand.u32 $0xFFFFFF80, v10;
	v19 =	vadd.s32 v19, v58;
	v23 =	vld.idx.msk [tilespmem:v23+s2+$0x0], $0xffff;
	v6 =	vor.u32 v49, v6  }
0x33: {  	v60 =	vand.u32 $0x7F, v10;
	v16 =	vadd.s32 v16, v57;
	v24 =	vor.u32 v52, v45;
	v18 =	vld.idx.msk [tilespmem:v18+s2+$0x0], $0xffff  }
0x34: {  	v17 =	vshll.u32 v17, $0x7;
	v56 =	vand.u32 $0xFFFFFF80, v9;
	v9 =	vand.u32 $0x7F, v9;
	v22 =	vld.idx.msk [tilespmem:v22+s2+$0x0], $0xffff  }
0x35: {  	v55 =	vand.u32 $0xFFFFFF80, v8;
	v8 =	vand.u32 $0x7F, v8;
	v25 =	vadd.s32 v12, v53;
	v20 =	vld.idx.msk [tilespmem:v34+s2+$0x0], $0xffff  }
0x36: {  	v12 =	vand.u32 $0xFFFFFF80, v15;
	v17 =	vadd.s32 v17, v55;
	v13 =	vshll.u32 v13, $0x7;
	v31 =	vld.idx.msk [tilespmem:v2+s2+$0x0], $0xffff  }
0x37: {  	v11 =	vor.u32 v8, v17;
	v8 =	vor.u32 v60, v16;
	v59 =	vadd.s32 v13, v56;
	v6 =	vld.idx.msk [tilespmem:v6+s2+$0x0], $0xffff  }
0x38: {  	v10 =	vor.u32 v9, v59;
	v9 =	vshrl.u32 v23, $0x1;
	v2 =	vshll.u32 v4, $0x7;
	v15 =	vld.idx.msk [tilespmem:v24+s2+$0x0], $0xffff  }
0x39: {  	v4 =	vadd.s32 v14, v54;
	v14 =	vor.u32 v5, v25;
	v62 =	vadd.s32 v2, v12  }
0x3a: {  	v12 =	vshrl.u32 v18, $0x1;
	v2 =	vshrl.u32 v21, $0x1;
	v13 =	vor.u32 v7, v4  }
0x3b: {  	v4 =	vor.u32 v61, v19;
	v20 =	vshrl.u32 v20, $0x1;
	v7 =	vshrl.u32 v31, $0x1  }
0x3c: {  	s24 =	simm.s32 $0x0;
	s25 =	simm.s32 $0xF0;
	[tilespmem:v3+s13+$0x0] =	vst.idx.msk $0xffff, v20;
	v3 =	vor.u32 v63, v62;
	v5 =	vshrl.u32 v6, $0x1;
	v6 =	vshrl.u32 v22, $0x1  }
.LBB2_2:
0x3d: {  	s0 =	sadd.s32 $0xFFFFFF90, s25;
	s26 =	sadd.s32 $0xFFFFFFA0, s25;
	v16 =	vor.u32 s25, v0;
	s24 =	sadd.s32 $0x8, s24;
	v15 =	vshrl.u32 v15, $0x1  }
0x3e: {  	s28 =	sadd.s32 $0xFFFFFFC0, s25;
	v17 =	vor.u32 s0, v0;
	v18 =	vor.u32 s26, v0;
	s26 =	sadd.s32 $0xFFFFFFB0, s25;
	v19 =	vmulhi.u32 $0x51EB851F, v16;
	p0 =	slt.u32 s24, $0x188;
	[tilespmem:v14+s13+$0x0] =	vst.idx.msk $0xffff, v12  }
0x3f: {  	s29 =	sadd.s32 $0xFFFFFFF0, s25;
	v20 =	vor.u32 s28, v0;
	s28 =	sadd.s32 $0xFFFFFFE0, s25;
	v12 =	vmulhi.u32 $0x51EB851F, v17;
	v14 =	vor.u32 s26, v0;
	s26 =	sadd.s32 $0xFFFFFFD0, s25;
	[tilespmem:v13+s13+$0x0] =	vst.idx.msk $0xffff, v2  }
0x40: {  	v22 =	vor.u32 s29, v0;
	v21 =	vor.u32 s28, v0;
	v13 =	vor.u32 s26, v0;
	[tilespmem:v11+s13+$0x0] =	vst.idx.msk $0xffff, v7  }
0x41: {  	v11 =	vmulhi.u32 $0x51EB851F, v18;
	v2 =	vshrl.u32 v19, $0x4;
	v7 =	vshrl.u32 v12, $0x4;
	[tilespmem:v10+s13+$0x0] =	vst.idx.msk $0xffff, v5  }
0x42: {  	v10 =	vmulhi.u32 $0x51EB851F, v14;
	v12 =	vmul.u32 $0xFFFFFFCE, v2;
	v5 =	vmul.u32 $0xFFFFFFCE, v7;
	[tilespmem:v8+s13+$0x0] =	vst.idx.msk $0xffff, v6  }
0x43: {  	v19 =	vmulhi.u32 $0x51EB851F, v20;
	v6 =	vmov s0;
	v8 =	vsub.s32 $0x0, v17;
	[tilespmem:v4+s13+$0x0] =	vst.idx.msk $0xffff, v9  }
0x44: {  	vm0 =	veq.s32 v6, v0;
	v4 =	vmulhi.u32 $0x51EB851F, v13;
	vm1 =	vne.s32 v5, v8;
	[tilespmem:v3+s13+$0x0] =	vst.idx.msk $0xffff, v15  }
0x45: {  	v3 =	vshrl.u32 v11, $0x4;
	v5 =	vmulhi.u32 $0x51EB851F, v21;
	vm0 =	vmand vm0, vm1  }
0x46: {  	v9 =	vmulhi.u32 $0x51EB851F, v22;
	v8 =	vshrl.u32 v10, $0x4;
	v6 =	vsel vm0, $0xFFFFFFFF, v1  }
0x47: {  	v4 =	vshrl.u32 v4, $0x4;
	v6 =	vadd.s32 v6, v7;
	v7 =	vshrl.u32 v19, $0x4  }
0x48: {  	v9 =	vshrl.u32 v9, $0x4;
	v5 =	vshrl.u32 v5, $0x4;
	v10 =	vmul.u32 $0xFFFFFFCE, v6  }
0x49: {  	v11 =	vmul.u32 $0xFFFFFFCE, v3;
	v15 =	vmul.u32 $0xFFFFFFCE, v8;
	v19 =	vmul.u32 $0xFFFFFFCE, v7  }
0x4a: {  	v23 =	vmul.u32 $0xFFFFFFCE, v5;
	v10 =	vadd.s32 v17, v10;
	v17 =	vmul.u32 $0xFFFFFFCE, v4  }
0x4b: {  	v26 =	vmul.u32 $0xFFFFFFCE, v9;
	v24 =	vand.u32 $0xFFFFFF80, v6;
	v25 =	vshll.u32 v10, $0x7  }
0x4c: {  	v11 =	vadd.s32 v18, v11;
	v27 =	vand.u32 $0x7F, v6;
	v24 =	vadd.s32 v24, v25  }
0x4d: {  	v14 =	vadd.s32 v14, v15;
	v15 =	vadd.s32 v20, v19;
	v18 =	vor.u32 v27, v24  }
0x4e: {  	v19 =	vadd.s32 v22, v26;
	v13 =	vadd.s32 v13, v17;
	v17 =	vadd.s32 v21, v23  }
0x4f: {  	v16 =	vadd.s32 v16, v12;
	v20 =	vshll.u32 v11, $0x7;
	v21 =	vshll.u32 v14, $0x7  }
0x50: {  	v12 =	vshll.u32 v15, $0x7;
	v22 =	vshll.u32 v13, $0x7;
	v23 =	vshll.u32 v17, $0x7  }
0x51: {  	v26 =	vshll.u32 v16, $0x7;
	v25 =	vshll.u32 v19, $0x7;
	v24 =	vand.u32 $0x3FFFF80, v3  }
0x52: {  	v28 =	vand.u32 $0x3FFFF80, v8;
	v6 =	vshll.u32 v6, $0x7;
	v27 =	vand.u32 $0xFFFFFF80, v10;
	v18 =	vld.idx.msk [tilespmem:v18+s2+$0x0], $0xffff  }
0x53: {  	v10 =	vand.u32 $0x7F, v10;
	v6 =	vadd.s32 v6, v27;
	v27 =	vand.u32 $0x3FFFF80, v7  }
0x54: {  	v29 =	vand.u32 $0x3FFFF80, v5;
	v6 =	vor.u32 v10, v6;
	v10 =	vand.u32 $0x3FFFF80, v4  }
0x55: {  	v30 =	vand.u32 $0x3FFFF80, v2;
	v20 =	vadd.s32 v24, v20;
	v24 =	vand.u32 $0x3FFFF80, v9  }
0x56: {  	v21 =	vadd.s32 v28, v21;
	v12 =	vadd.s32 v27, v12;
	v10 =	vadd.s32 v10, v22  }
0x57: {  	v22 =	vadd.s32 v29, v23;
	v23 =	vadd.s32 v24, v25;
	v24 =	vadd.s32 v30, v26  }
0x58: {  	v25 =	vand.u32 $0x7F, v3;
	v26 =	vand.u32 $0x7F, v8;
	v18 =	vshrl.u32 v18, $0x1  }
0x59: {  	v27 =	vand.u32 $0x7F, v5;
	[tilespmem:v6+s13+$0x0] =	vst.idx.msk $0xffff, v18;
	v6 =	vand.u32 $0x7F, v7;
	v18 =	vand.u32 $0x7F, v4  }
0x5a: {  	v28 =	vand.u32 $0x7F, v2;
	v20 =	vor.u32 v25, v20;
	v25 =	vand.u32 $0x7F, v9  }
0x5b: {  	v21 =	vor.u32 v26, v21;
	v6 =	vor.u32 v6, v12;
	v10 =	vor.u32 v18, v10  }
0x5c: {  	v12 =	vor.u32 v27, v22;
	v18 =	vor.u32 v25, v23;
	v22 =	vor.u32 v28, v24  }
0x5d: {  	v23 =	vand.u32 $0xFFFFFF80, v11;
	v24 =	vand.u32 $0xFFFFFF80, v14;
	v25 =	vand.u32 $0xFFFFFF80, v15  }
0x5e: {  	v26 =	vand.u32 $0xFFFFFF80, v13;
	v27 =	vand.u32 $0xFFFFFF80, v17;
	v28 =	vand.u32 $0xFFFFFF80, v19  }
0x5f: {  	v3 =	vshll.u32 v3, $0x7;
	v8 =	vshll.u32 v8, $0x7;
	v29 =	vand.u32 $0xFFFFFF80, v16;
	v20 =	vld.idx.msk [tilespmem:v20+s2+$0x0], $0xffff  }
0x60: {  	v5 =	vshll.u32 v5, $0x7;
	v7 =	vshll.u32 v7, $0x7;
	v4 =	vshll.u32 v4, $0x7;
	v21 =	vld.idx.msk [tilespmem:v21+s2+$0x0], $0xffff  }
0x61: {  	v2 =	vshll.u32 v2, $0x7;
	v9 =	vshll.u32 v9, $0x7;
	v3 =	vadd.s32 v3, v23;
	v6 =	vld.idx.msk [tilespmem:v6+s2+$0x0], $0xffff  }
0x62: {  	v4 =	vadd.s32 v4, v26;
	v8 =	vadd.s32 v8, v24;
	v23 =	vadd.s32 v7, v25;
	v10 =	vld.idx.msk [tilespmem:v10+s2+$0x0], $0xffff  }
0x63: {  	v7 =	vand.u32 $0x7F, v11;
	v25 =	vadd.s32 v5, v27;
	v9 =	vadd.s32 v9, v28;
	v24 =	vld.idx.msk [tilespmem:v12+s2+$0x0], $0xffff  }
0x64: {  	v26 =	vand.u32 $0x7F, v13;
	v5 =	vand.u32 $0x7F, v14;
	v11 =	vand.u32 $0x7F, v15;
	v18 =	vld.idx.msk [tilespmem:v18+s2+$0x0], $0xffff  }
0x65: {  	v17 =	vand.u32 $0x7F, v17;
	v19 =	vand.u32 $0x7F, v19;
	v15 =	vld.idx.msk [tilespmem:v22+s2+$0x0], $0xffff;
	v22 =	vadd.s32 v2, v29  }
.Ltmp0:
0x66: {  	v16 =	vand.u32 $0x7F, v16;
	v12 =	vshrl.u32 v20, $0x1;
	v2 =	vshrl.u32 v21, $0x1;
	(pc) =	sbr.rel @p0 .LBB2_2-.Ltmp0, $4  }
0x67: {  	v14 =	vor.u32 v7, v3;
	v13 =	vor.u32 v5, v8;
	v7 =	vshrl.u32 v6, $0x1  }
0x68: {  	v11 =	vor.u32 v11, v23;
	v5 =	vshrl.u32 v10, $0x1;
	v10 =	vor.u32 v26, v4  }
0x69: {  	v8 =	vor.u32 v17, v25;
	v4 =	vor.u32 v19, v9;
	v6 =	vshrl.u32 v24, $0x1  }
0x6a: {  	s25 =	sadd.s32 $0x80, s25;
	v3 =	vor.u32 v16, v22;
	v9 =	vshrl.u32 v18, $0x1  }
0x6b: {  	_ =	sdelay $0x3  }
0x6c: {  	[tilespmem:v14+s13+$0x0] =	vst.idx.msk $0xffff, v12  }
0x6d: {  	[tilespmem:v13+s13+$0x0] =	vst.idx.msk $0xffff, v2  }
0x6e: {  	[tilespmem:v11+s13+$0x0] =	vst.idx.msk $0xffff, v7  }
0x6f: {  	[tilespmem:v10+s13+$0x0] =	vst.idx.msk $0xffff, v5  }
0x70: {  	[tilespmem:v8+s13+$0x0] =	vst.idx.msk $0xffff, v6  }
0x71: {  	v2 =	vshrl.u32 v15, $0x1;
	[tilespmem:v4+s13+$0x0] =	vst.idx.msk $0xffff, v9  }
0x72: {  	s24 =	simm.s32 $0x0;
	[tilespmem:v3+s13+$0x0] =	vst.idx.msk $0xffff, v2  }
0x73: {  	[tilespmem:s15], [sflag:$0x1] =	stream.indirect.gather [hbm4b:s4+s14], $0x80, s13, s14, $0xb8;
	[tilespmem:$0xCC00] =	vst v63  }
.LBB2_4:
0x74: {  	s25 =	sshllo.u32 s24, $0x1  }
0x75: {  	s26 =	sshll.u32 s24, $0x1;
	s0 =	sshll.u32 s25, $0x7  }
0x76: {  	v2 =	vmov s26;
	s0 =	sand.u32 $0x3FFFFF80, s0  }
0x77: {  	s1 =	simm.s32 $0x380;
	s28 =	simm.s32 $0x80;
	v2 =	vand.u32 $0x7E, v2;
	s0 =	sadd.s32 $0x1C00, s0  }
0x78: {  	v3 =	vor.u32 s1, v2;
	[tilespmem:s16], [sflag:$0x2] =	stream.indirect.gather [hbm4b:s4+s14], $0x80, s0, s14, $0xb8;
	[tilespmem:$0xCC00] =	vst v63  }
0x79: {  	v4 =	vor.u32 s28, v2;
	v3 =	vbroadcast v3, $0x0;
	_ =	swait.ge [sflag:s17], $0x1900  }
0x7a: {  	p0 =	seq.s32 s24, $0x0;
	v4 =	vbroadcast v4, $0x0;
	[sflag:s17] =	ssyncset.done $0x0  }
0x7b: {  	s28 =	simm.s32 $0x100;
	s0 =	simm.s32 @!p0 $0x3;
	[sflag:s17] =	ssyncadd.s32 $0xFFFFE700  }
0x7c: {  	s29 =	simm.s32 $0x200;
	v5 =	vor.u32 s28, v2;
	_ =	swait.ge @!p0 [sflag:s0], $0x1900  }
0x7d: {  	s9 =	simm.s32 $0x280;
	v7 =	vor.u32 s29, v2;
	v5 =	vbroadcast v5, $0x0;
	[sflag:s0] =	ssyncset.done @!p0 $0x0  }
0x7e: {  	s10 =	simm.s32 $0x0;
	v8 =	vor.u32 s9, v2;
	v7 =	vbroadcast v7, $0x0;
	[sflag:s0] =	ssyncadd.s32 @!p0 $0xFFFFE700  }
0x7f: {  	v10 =	vor.u32 s10, v2;
	v8 =	vbroadcast v8, $0x0;
	v3 =	vld.idx.msk [tilespmem:v3+s2+$0x0], $0xffff  }
0x80: {  	s29 =	simm.s32 $0x5E00;
	v10 =	vbroadcast v10, $0x0;
	v4 =	vld.idx.msk [tilespmem:v4+s2+$0x0], $0xffff  }
0x81: {  	v11 =	vld [tilespmem:s29+$0x180]  }
0x82: {  	v12 =	vld [tilespmem:s29+$0x1C0]  }
0x83: {  	v5 =	vld.idx.msk [tilespmem:v5+s2+$0x0], $0xffff  }
0x84: {  	v7 =	vld.idx.msk [tilespmem:v7+s2+$0x0], $0xffff  }
0x85: {  	v8 =	vld.idx.msk [tilespmem:v8+s2+$0x0], $0xffff  }
0x86: {  	v10 =	vld.idx.msk [tilespmem:v10+s2+$0x0], $0xffff  }
0x87: {  	v13 =	vld [tilespmem:s29+$0xFFFFFE40]  }
0x88: {  	s28 =	simm.s32 $0x180;
	v14 =	vld [tilespmem:s29+$0xFFFFFE80]  }
0x89: {  	v6 =	vor.u32 s28, v2;
	s28 =	simm.s32 $0x300;
	v15 =	vld [tilespmem:s29+$0xFFFFFEC0]  }
0x8a: {  	v6 =	vbroadcast v6, $0x0;
	v9 =	vor.u32 s28, v2;
	v16 =	vld [tilespmem:s29+$0xFFFFFF00]  }
0x8b: {  	v9 =	vbroadcast v9, $0x0;
	v18 =	vld [tilespmem:s29+$0xFFFFFF80]  }
0x8c: {  	v19 =	vld [tilespmem:s29+$0xFFFFFFC0]  }
0x8d: {  	v20 =	vld [tilespmem:s29+$0x0]  }
0x8e: {  	v21 =	vld [tilespmem:s29+$0x40]  }
0x8f: {  	v22 =	vld [tilespmem:s29+$0x80];
	v3 =	vand.u32 $0x1, v3  }
0x90: {  	v6 =	vld.idx.msk [tilespmem:v6+s2+$0x0], $0xffff;
	vm6 =	veq.s32 v3, $0x0  }
0x91: {  	s28 =	simm.s32 $0x9600;
	v3 =	vld.idx.msk [tilespmem:v9+s2+$0x0], $0xffff;
	v9 =	vsel vm6, v11, v12  }
0x92: {  	v12 =	vld [tilespmem:s29+$0xFFFFFE00];
	[tilespmem:s28+$0x180] =	vst v9  }
0x93: {  	v4 =	vand.u32 $0x1, v4;
	v9 =	vld [tilespmem:s29+$0x190]  }
0x94: {  	v5 =	vand.u32 $0x1, v5;
	vm7 =	veq.s32 v4, $0x0;
	v11 =	vld [tilespmem:s29+$0x1D0]  }
0x95: {  	vm5 =	veq.s32 v5, $0x0;
	v5 =	vld [tilespmem:s29+$0x140];
	v14 =	vsel vm7, v14, v15  }
0x96: {  	v10 =	vand.u32 $0x1, v10;
	v15 =	vld [tilespmem:s29+$0x100];
	[tilespmem:s28+$0xFFFFFE80] =	vst v14  }
0x97: {  	v6 =	vand.u32 $0x1, v6;
	vm0 =	veq.s32 v10, $0x0;
	v14 =	vld [tilespmem:s29+$0xFFFFFE90]  }
0x98: {  	vm4 =	veq.s32 v6, $0x0;
	v6 =	vld [tilespmem:s29+$0xFFFFFED0];
	v10 =	vsel vm0, v12, v13  }
0x99: {  	v3 =	vand.u32 $0x1, v3;
	[tilespmem:s28+$0xFFFFFE00] =	vst v10;
	v9 =	vsel vm6, v9, v11;
	v11 =	vld [tilespmem:s29+$0xFFFFFF40]  }
0x9a: {  	vm1 =	veq.s32 v3, $0x0;
	v13 =	vld [tilespmem:s29+$0xFFFFFE10];
	[tilespmem:s28+$0x190] =	vst v9  }
0x9b: {  	v5 =	vsel vm1, v15, v5;
	v9 =	vld [tilespmem:s29+$0x1A0]  }
0x9c: {  	[tilespmem:s28+$0x100] =	vst v5;
	v17 =	vld [tilespmem:s29+$0x1E0]  }
0x9d: {  	v12 =	vld [tilespmem:s29+$0x110]  }
0x9e: {  	v6 =	vsel vm7, v14, v6;
	v10 =	vld [tilespmem:s29+$0x150]  }
0x9f: {  	[tilespmem:s28+$0xFFFFFE90] =	vst v6;
	v6 =	vld [tilespmem:s29+$0xFFFFFE50]  }
0xa0: {  	v14 =	vld [tilespmem:s29+$0xFFFFFEA0];
	v11 =	vsel vm5, v16, v11  }
0xa1: {  	[tilespmem:s28+$0xFFFFFF00] =	vst v11;
	v9 =	vsel vm6, v9, v17;
	v17 =	vld [tilespmem:s29+$0xC0]  }
0xa2: {  	v7 =	vand.u32 $0x1, v7;
	v11 =	vsel vm4, v18, v19;
	v16 =	vld [tilespmem:s29+$0xFFFFFF10]  }
0xa3: {  	vm3 =	veq.s32 v7, $0x0;
	[tilespmem:s28+$0xFFFFFF80] =	vst v11;
	v7 =	vld [tilespmem:s29+$0xFFFFFF50]  }
0xa4: {  	v8 =	vand.u32 $0x1, v8;
	v10 =	vsel vm1, v12, v10;
	v18 =	vld [tilespmem:s29+$0xFFFFFF90]  }
0xa5: {  	vm2 =	veq.s32 v8, $0x0;
	v6 =	vsel vm0, v13, v6;
	[tilespmem:s28+$0x110] =	vst v10;
	v8 =	vld [tilespmem:s29+$0xFFFFFFD0]  }
0xa6: {  	[tilespmem:s28+$0xFFFFFE10] =	vst v6;
	v13 =	vld [tilespmem:s29+$0x120]  }
0xa7: {  	[tilespmem:s28+$0x1A0] =	vst v9;
	v6 =	vld [tilespmem:s29+$0x160]  }
0xa8: {  	v11 =	vsel vm3, v20, v21;
	v9 =	vld [tilespmem:s29+$0x1B0]  }
0xa9: {  	[tilespmem:s28+$0x0] =	vst v11;
	v4 =	vld [tilespmem:s29+$0x1F0]  }
0xaa: {  	v3 =	vld [tilespmem:s29+$0x50];
	v11 =	vsel vm2, v22, v17  }
0xab: {  	v17 =	vld [tilespmem:s29+$0x10];
	v7 =	vsel vm5, v16, v7;
	[tilespmem:s28+$0x80] =	vst v11  }
0xac: {  	[tilespmem:s28+$0xFFFFFF10] =	vst v7;
	v7 =	vld [tilespmem:s29+$0xFFFFFEE0]  }
0xad: {  	v11 =	vld [tilespmem:s29+$0x90]  }
0xae: {  	v5 =	vld [tilespmem:s29+$0xD0]  }
0xaf: {  	v8 =	vsel vm4, v18, v8;
	v15 =	vld [tilespmem:s29+$0xFFFFFF20]  }
0xb0: {  	[tilespmem:s28+$0xFFFFFF90] =	vst v8;
	v8 =	vld [tilespmem:s29+$0xFFFFFF60]  }
0xb1: {  	v16 =	vld [tilespmem:s29+$0xFFFFFFA0];
	v3 =	vsel vm3, v17, v3  }
0xb2: {  	[tilespmem:s28+$0x10] =	vst v3;
	v3 =	vld [tilespmem:s29+$0xFFFFFFE0]  }
0xb3: {  	v7 =	vsel vm7, v14, v7;
	v14 =	vld [tilespmem:s29+$0xFFFFFE20]  }
0xb4: {  	v5 =	vsel vm2, v11, v5;
	v11 =	vld [tilespmem:s29+$0x20]  }
0xb5: {  	[tilespmem:s28+$0xFFFFFEA0] =	vst v7;
	v7 =	vld [tilespmem:s29+$0xFFFFFE60]  }
0xb6: {  	[tilespmem:s28+$0x90] =	vst v5;
	v5 =	vld [tilespmem:s29+$0x60]  }
0xb7: {  	v12 =	vld [tilespmem:s29+$0xA0]  }
0xb8: {  	v4 =	vsel vm6, v9, v4;
	v10 =	vld [tilespmem:s29+$0xE0]  }
0xb9: {  	[tilespmem:s28+$0x1B0] =	vst v4;
	v4 =	vsel vm5, v15, v8;
	v8 =	vld [tilespmem:s29+$0xFFFFFEB0]  }
0xba: {  	[tilespmem:s28+$0xFFFFFF20] =	vst v4;
	v9 =	vld [tilespmem:s29+$0xFFFFFEF0];
	v3 =	vsel vm4, v16, v3  }
0xbb: {  	v6 =	vsel vm1, v13, v6;
	[tilespmem:s28+$0xFFFFFFA0] =	vst v3;
	v3 =	vld [tilespmem:s29+$0xFFFFFF30]  }
0xbc: {  	[tilespmem:s28+$0x120] =	vst v6;
	v4 =	vsel vm3, v11, v5;
	v5 =	vld [tilespmem:s29+$0xFFFFFF70]  }
0xbd: {  	v6 =	vld [tilespmem:s29+$0xFFFFFFF0];
	[tilespmem:s28+$0x20] =	vst v4;
	v4 =	vsel vm2, v12, v10  }
0xbe: {  	s1 =	simm.s32 $0x400;
	s10 =	simm.s32 $0x580;
	v7 =	vsel vm0, v14, v7;
	[tilespmem:s28+$0xA0] =	vst v4;
	v4 =	vld [tilespmem:s29+$0xFFFFFFB0]  }
0xbf: {  	s30 =	simm.s32 $0x500;
	s31 =	simm.s32 $0x780;
	v18 =	vor.u32 s10, v2;
	v15 =	vor.u32 s1, v2;
	[tilespmem:s28+$0xFFFFFE20] =	vst v7;
	v7 =	vld [tilespmem:s29+$0x30]  }
0xc0: {  	s9 =	simm.s32 $0x480;
	v9 =	vsel vm7, v8, v9;
	v10 =	vor.u32 s30, v2;
	s30 =	simm.s32 $0x600;
	v12 =	vor.u32 s31, v2;
	v8 =	vld [tilespmem:s29+$0x70]  }
0xc1: {  	s0 =	simm.s32 $0x700;
	v11 =	vor.u32 s9, v2;
	s31 =	simm.s32 $0x680;
	[tilespmem:s28+$0xFFFFFEB0] =	vst v9;
	v17 =	vor.u32 s30, v2;
	v16 =	vbroadcast v12, $0x0;
	s30 =	simm.s32 $0x10;
	v9 =	vld [tilespmem:s29+$0xB0]  }
.LBB2_5:
0xc2: {  	p1 =	slt.u32 s30, $0x28;
	v11 =	vbroadcast v11, $0x0;
	v12 =	vor.u32 s31, v2;
	v13 =	vor.u32 s0, v2;
	v14 =	vld [tilespmem:s29+$0xF0]  }
0xc3: {  	v10 =	vbroadcast v10, $0x0;
	v18 =	vbroadcast v18, $0x0;
	v3 =	vsel vm5, v3, v5;
	v5 =	vld [tilespmem:s29+$0x130]  }
0xc4: {  	v17 =	vbroadcast v17, $0x0;
	v12 =	vbroadcast v12, $0x0;
	[tilespmem:s28+$0xFFFFFF30] =	vst v3;
	v3 =	vsel vm4, v4, v6;
	v4 =	vld [tilespmem:s29+$0x170]  }
0xc5: {  	v13 =	vbroadcast v13, $0x0;
	v6 =	vbroadcast v15, $0x0;
	v15 =	vld [tilespmem:s29+$0xFFFFFE30];
	[tilespmem:s28+$0xFFFFFFB0] =	vst v3;
	v3 =	vsel vm3, v7, v8  }
0xc6: {  	v7 =	vld [tilespmem:s29+$0xFFFFFE70];
	[tilespmem:s28+$0x30] =	vst v3  }
0xc7: {  	v3 =	vld.idx.msk [tilespmem:v16+s2+$0x0], $0xffff;
	v8 =	vsel vm2, v9, v14  }
0xc8: {  	s29 =	sadd.s32 $0x400, s29;
	v9 =	vld.idx.msk [tilespmem:v11+s2+$0x0], $0xffff;
	[tilespmem:s28+$0xB0] =	vst v8  }
0xc9: {  	v8 =	vld [tilespmem:s29+$0x180];
	v4 =	vsel vm1, v5, v4  }
0xca: {  	v5 =	vld [tilespmem:s29+$0x1C0];
	[tilespmem:s28+$0x130] =	vst v4  }
0xcb: {  	v4 =	vld.idx.msk [tilespmem:v10+s2+$0x0], $0xffff;
	v7 =	vsel vm0, v15, v7  }
0xcc: {  	v10 =	vld.idx.msk [tilespmem:v18+s2+$0x0], $0xffff;
	[tilespmem:s28+$0xFFFFFE30] =	vst v7  }
0xcd: {  	v3 =	vand.u32 $0x1, v3;
	v7 =	vld.idx.msk [tilespmem:v17+s2+$0x0], $0xffff  }
0xce: {  	v9 =	vand.u32 $0x1, v9;
	vm7 =	veq.s32 v3, $0x0;
	v11 =	vld.idx.msk [tilespmem:v12+s2+$0x0], $0xffff  }
0xcf: {  	s28 =	sadd.s32 $0x400, s28;
	vm6 =	veq.s32 v9, $0x0;
	v3 =	vld.idx.msk [tilespmem:v13+s2+$0x0], $0xffff;
	v5 =	vsel vm7, v8, v5  }
0xd0: {  	v6 =	vld.idx.msk [tilespmem:v6+s2+$0x0], $0xffff;
	[tilespmem:s28+$0x180] =	vst v5  }
0xd1: {  	v4 =	vand.u32 $0x1, v4;
	v5 =	vld [tilespmem:s29+$0x190]  }
0xd2: {  	vm5 =	veq.s32 v4, $0x0;
	v4 =	vand.u32 $0x1, v10;
	v8 =	vld [tilespmem:s29+$0x1D0]  }
0xd3: {  	vm4 =	veq.s32 v4, $0x0;
	v4 =	vand.u32 $0x1, v7;
	v9 =	vld [tilespmem:s29+$0xFFFFFE00]  }
0xd4: {  	vm3 =	veq.s32 v4, $0x0;
	v4 =	vand.u32 $0x1, v11;
	v7 =	vld [tilespmem:s29+$0xFFFFFE40]  }
0xd5: {  	vm2 =	veq.s32 v4, $0x0;
	v3 =	vand.u32 $0x1, v3;
	v10 =	vld [tilespmem:s29+$0xFFFFFE80]  }
0xd6: {  	v4 =	vand.u32 $0x1, v6;
	vm1 =	veq.s32 v3, $0x0;
	v6 =	vld [tilespmem:s29+$0xFFFFFEC0]  }
0xd7: {  	vm0 =	veq.s32 v4, $0x0;
	v3 =	vld [tilespmem:s29+$0xFFFFFF00];
	v4 =	vsel vm7, v5, v8  }
0xd8: {  	v5 =	vld [tilespmem:s29+$0xFFFFFF40];
	[tilespmem:s28+$0x190] =	vst v4  }
0xd9: {  	v4 =	vsel vm0, v9, v7;
	v7 =	vld [tilespmem:s29+$0x1A0]  }
0xda: {  	[tilespmem:s28+$0xFFFFFE00] =	vst v4;
	v4 =	vld [tilespmem:s29+$0x1E0]  }
0xdb: {  	v6 =	vsel vm6, v10, v6;
	v8 =	vld [tilespmem:s29+$0xFFFFFF80]  }
0xdc: {  	[tilespmem:s28+$0xFFFFFE80] =	vst v6;
	v6 =	vld [tilespmem:s29+$0xFFFFFFC0]  }
0xdd: {  	v3 =	vsel vm5, v3, v5;
	v5 =	vld [tilespmem:s29+$0x0]  }
0xde: {  	[tilespmem:s28+$0xFFFFFF00] =	vst v3;
	v3 =	vld [tilespmem:s29+$0x40]  }
0xdf: {  	v9 =	vld [tilespmem:s29+$0x80];
	v4 =	vsel vm7, v7, v4  }
0xe0: {  	v7 =	vld [tilespmem:s29+$0xC0];
	[tilespmem:s28+$0x1A0] =	vst v4  }
0xe1: {  	v4 =	vsel vm4, v8, v6;
	v6 =	vld [tilespmem:s29+$0x1B0]  }
0xe2: {  	[tilespmem:s28+$0xFFFFFF80] =	vst v4;
	v4 =	vld [tilespmem:s29+$0x1F0]  }
0xe3: {  	v3 =	vsel vm3, v5, v3;
	v5 =	vld [tilespmem:s29+$0x100]  }
0xe4: {  	[tilespmem:s28+$0x0] =	vst v3;
	v3 =	vld [tilespmem:s29+$0x140]  }
0xe5: {  	v8 =	vld [tilespmem:s29+$0xFFFFFE90];
	v7 =	vsel vm2, v9, v7  }
0xe6: {  	v9 =	vld [tilespmem:s29+$0xFFFFFED0];
	[tilespmem:s28+$0x80] =	vst v7  }
0xe7: {  	v7 =	vld [tilespmem:s29+$0xFFFFFF10];
	v4 =	vsel vm7, v6, v4  }
0xe8: {  	v6 =	vld [tilespmem:s29+$0xFFFFFF50];
	[tilespmem:s28+$0x1B0] =	vst v4  }
0xe9: {  	v4 =	vld [tilespmem:s29+$0xFFFFFF90];
	v3 =	vsel vm1, v5, v3  }
0xea: {  	v5 =	vld [tilespmem:s29+$0xFFFFFFD0];
	[tilespmem:s28+$0x100] =	vst v3  }
0xeb: {  	v3 =	vsel vm6, v8, v9;
	v8 =	vld [tilespmem:s29+$0x10]  }
0xec: {  	[tilespmem:s28+$0xFFFFFE90] =	vst v3;
	v3 =	vld [tilespmem:s29+$0x50]  }
0xed: {  	v6 =	vsel vm5, v7, v6;
	v7 =	vld [tilespmem:s29+$0x90]  }
0xee: {  	[tilespmem:s28+$0xFFFFFF10] =	vst v6;
	v6 =	vld [tilespmem:s29+$0xD0]  }
0xef: {  	v4 =	vsel vm4, v4, v5;
	v5 =	vld [tilespmem:s29+$0x110]  }
0xf0: {  	[tilespmem:s28+$0xFFFFFF90] =	vst v4;
	v4 =	vld [tilespmem:s29+$0x150]  }
0xf1: {  	v9 =	vld [tilespmem:s29+$0xFFFFFE10];
	v3 =	vsel vm3, v8, v3  }
0xf2: {  	v8 =	vld [tilespmem:s29+$0xFFFFFE50];
	[tilespmem:s28+$0x10] =	vst v3  }
0xf3: {  	v3 =	vld [tilespmem:s29+$0xFFFFFEA0];
	v6 =	vsel vm2, v7, v6  }
0xf4: {  	v7 =	vld [tilespmem:s29+$0xFFFFFEE0];
	[tilespmem:s28+$0x90] =	vst v6  }
0xf5: {  	v6 =	vld [tilespmem:s29+$0xFFFFFF20];
	v4 =	vsel vm1, v5, v4  }
0xf6: {  	v5 =	vld [tilespmem:s29+$0xFFFFFF60];
	[tilespmem:s28+$0x110] =	vst v4  }
0xf7: {  	v4 =	vsel vm0, v9, v8;
	v8 =	vld [tilespmem:s29+$0xFFFFFFA0]  }
0xf8: {  	[tilespmem:s28+$0xFFFFFE10] =	vst v4;
	v4 =	vld [tilespmem:s29+$0xFFFFFFE0]  }
0xf9: {  	v3 =	vsel vm6, v3, v7;
	v7 =	vld [tilespmem:s29+$0x20]  }
0xfa: {  	[tilespmem:s28+$0xFFFFFEA0] =	vst v3;
	v3 =	vld [tilespmem:s29+$0x60]  }
0xfb: {  	v5 =	vsel vm5, v6, v5;
	v6 =	vld [tilespmem:s29+$0xA0]  }
0xfc: {  	[tilespmem:s28+$0xFFFFFF20] =	vst v5;
	v5 =	vld [tilespmem:s29+$0xE0]  }
0xfd: {  	v4 =	vsel vm4, v8, v4;
	v8 =	vld [tilespmem:s29+$0x120]  }
0xfe: {  	[tilespmem:s28+$0xFFFFFFA0] =	vst v4;
	v4 =	vld [tilespmem:s29+$0x160]  }
0xff: {  	v9 =	vld [tilespmem:s29+$0xFFFFFE20];
	v3 =	vsel vm3, v7, v3  }
0x100: {  	v7 =	vld [tilespmem:s29+$0xFFFFFE60];
	[tilespmem:s28+$0x20] =	vst v3  }
0x101: {  	v10 =	vld [tilespmem:s29+$0xFFFFFEB0];
	v3 =	vsel vm2, v6, v5  }
0x102: {  	v11 =	vld [tilespmem:s29+$0xFFFFFEF0];
	[tilespmem:s28+$0xA0] =	vst v3  }
0x103: {  	v3 =	vld [tilespmem:s29+$0xFFFFFF30];
	v4 =	vsel vm1, v8, v4  }
0x104: {  	v5 =	vld [tilespmem:s29+$0xFFFFFF70];
	[tilespmem:s28+$0x120] =	vst v4  }
.Ltmp1:
0x105: {  	v6 =	vsel vm0, v9, v7;
	v4 =	vld [tilespmem:s29+$0xFFFFFFB0];
	(pc) =	sbr.rel @p1 .LBB2_5-.Ltmp1, $4  }
0x106: {  	s0 =	sshll.u32 s30, $0x7;
	[tilespmem:s28+$0xFFFFFE20] =	vst v6;
	v6 =	vld [tilespmem:s29+$0xFFFFFFF0]  }
0x107: {  	s31 =	sadd.s32 $0x80, s0;
	s1 =	sadd.s32 $0x100, s0;
	s9 =	sadd.s32 $0x380, s0;
	v15 =	vor.u32 s0, v2;
	v9 =	vsel vm6, v10, v11;
	v7 =	vld [tilespmem:s29+$0x30]  }
0x108: {  	s10 =	sadd.s32 $0x200, s0;
	v12 =	vor.u32 s9, v2;
	v11 =	vor.u32 s31, v2;
	v10 =	vor.u32 s1, v2;
	s1 =	sadd.s32 $0x180, s0;
	s31 =	sadd.s32 $0x280, s0;
	v8 =	vld [tilespmem:s29+$0x70]  }
0x109: {  	s30 =	sadd.s32 $0x8, s30;
	v17 =	vor.u32 s10, v2;
	v16 =	vbroadcast v12, $0x0;
	s0 =	sadd.s32 $0x300, s0;
	v18 =	vor.u32 s1, v2;
	[tilespmem:s28+$0xFFFFFEB0] =	vst v9;
	v9 =	vld [tilespmem:s29+$0xB0]  }
0x10a: {  	v14 =	vld [tilespmem:s29+$0xF0]  }
0x10b: {  	v12 =	vld [tilespmem:s29+$0x130]  }
0x10c: {  	v13 =	vld [tilespmem:s29+$0x170]  }
0x10d: {  	v20 =	vbroadcast v10, $0x0;
	v10 =	vld [tilespmem:s29+$0xFFFFFE30]  }
0x10e: {  	v19 =	vbroadcast v11, $0x0;
	v11 =	vld [tilespmem:s29+$0xFFFFFE70]  }
0x10f: {  	s30 =	sadd.s32 $0x400, s29;
	v16 =	vld.idx.msk [tilespmem:v16+s2+$0x0], $0xffff  }
0x110: {  	v22 =	vld [tilespmem:s30+$0x180]  }
0x111: {  	v23 =	vld [tilespmem:s30+$0x1C0]  }
0x112: {  	v48 =	vld [tilespmem:s30+$0xFFFFFE00]  }
0x113: {  	v24 =	vld [tilespmem:s30+$0xFFFFFE40]  }
0x114: {  	v25 =	vld [tilespmem:s30+$0xFFFFFE80]  }
0x115: {  	v26 =	vld [tilespmem:s30+$0xFFFFFEC0]  }
0x116: {  	v27 =	vld [tilespmem:s30+$0xFFFFFF00]  }
0x117: {  	v49 =	vld [tilespmem:s30+$0xFFFFFF40]  }
0x118: {  	v29 =	vld [tilespmem:s30+$0xFFFFFF80]  }
0x119: {  	v30 =	vld [tilespmem:s30+$0xFFFFFFC0]  }
0x11a: {  	v31 =	vld [tilespmem:s30+$0x0]  }
0x11b: {  	v32 =	vld [tilespmem:s30+$0x40]  }
0x11c: {  	v18 =	vbroadcast v18, $0x0;
	v33 =	vld [tilespmem:s30+$0x80]  }
0x11d: {  	v17 =	vbroadcast v17, $0x0;
	v50 =	vld [tilespmem:s30+$0xC0]  }
0x11e: {  	v21 =	vor.u32 s31, v2;
	v15 =	vbroadcast v15, $0x0;
	v52 =	vld [tilespmem:s30+$0x100]  }
0x11f: {  	v2 =	vor.u32 s0, v2;
	v21 =	vbroadcast v21, $0x0;
	v53 =	vld [tilespmem:s30+$0x140]  }
0x120: {  	v2 =	vbroadcast v2, $0x0;
	v19 =	vld.idx.msk [tilespmem:v19+s2+$0x0], $0xffff  }
0x121: {  	v20 =	vld.idx.msk [tilespmem:v20+s2+$0x0], $0xffff  }
0x122: {  	v18 =	vld.idx.msk [tilespmem:v18+s2+$0x0], $0xffff  }
0x123: {  	v17 =	vld.idx.msk [tilespmem:v17+s2+$0x0], $0xffff;
	v16 =	vand.u32 $0x1, v16  }
0x124: {  	v15 =	vld.idx.msk [tilespmem:v15+s2+$0x0], $0xffff;
	vm6 =	veq.s32 v16, $0x0  }
0x125: {  	s10 =	sadd.s32 $0x400, s28;
	v21 =	vld.idx.msk [tilespmem:v21+s2+$0x0], $0xffff;
	v16 =	vsel vm6, v22, v23;
	v51 =	vand.u32 $0x1, v19  }
0x126: {  	v2 =	vld.idx.msk [tilespmem:v2+s2+$0x0], $0xffff;
	[tilespmem:s10+$0x180] =	vst v16;
	vm7 =	veq.s32 v51, $0x0  }
0x127: {  	v16 =	vld [tilespmem:s30+$0x190];
	v20 =	vand.u32 $0x1, v20;
	v25 =	vsel vm7, v25, v26  }
0x128: {  	v47 =	vld [tilespmem:s30+$0x1D0];
	vm8 =	veq.s32 v20, $0x0;
	[tilespmem:s10+$0xFFFFFE80] =	vst v25  }
0x129: {  	v18 =	vand.u32 $0x1, v18;
	v22 =	vsel vm8, v27, v49;
	v25 =	vld [tilespmem:s30+$0xFFFFFE90]  }
0x12a: {  	vm9 =	veq.s32 v18, $0x0;
	[tilespmem:s10+$0xFFFFFF00] =	vst v22;
	v54 =	vld [tilespmem:s30+$0xFFFFFED0]  }
0x12b: {  	v17 =	vand.u32 $0x1, v17;
	v55 =	vsel vm9, v29, v30;
	v56 =	vld [tilespmem:s30+$0xFFFFFF10]  }
0x12c: {  	vm10 =	veq.s32 v17, $0x0;
	[tilespmem:s10+$0xFFFFFF80] =	vst v55;
	v57 =	vld [tilespmem:s30+$0xFFFFFF50]  }
0x12d: {  	v15 =	vand.u32 $0x1, v15;
	v58 =	vsel vm10, v31, v32;
	v59 =	vld [tilespmem:s30+$0xFFFFFF90]  }
0x12e: {  	vm13 =	veq.s32 v15, $0x0;
	[tilespmem:s10+$0x0] =	vst v58;
	v60 =	vld [tilespmem:s30+$0xFFFFFFD0]  }
0x12f: {  	v21 =	vand.u32 $0x1, v21;
	v2 =	vand.u32 $0x1, v2;
	v30 =	vsel vm13, v48, v24;
	v62 =	vld [tilespmem:s30+$0x10]  }
0x130: {  	vm11 =	veq.s32 v21, $0x0;
	vm12 =	veq.s32 v2, $0x0;
	[tilespmem:s10+$0xFFFFFE00] =	vst v30;
	v2 =	vld [tilespmem:s30+$0x50]  }
0x131: {  	v61 =	vsel vm11, v33, v50;
	v33 =	vld [tilespmem:s30+$0xFFFFFE10]  }
0x132: {  	[tilespmem:s10+$0x80] =	vst v61;
	v34 =	vld [tilespmem:s30+$0xFFFFFE50]  }
0x133: {  	v20 =	vsel vm12, v52, v53;
	v22 =	vld [tilespmem:s30+$0x90]  }
0x134: {  	[tilespmem:s10+$0x100] =	vst v20;
	v63 =	vld [tilespmem:s30+$0xD0]  }
0x135: {  	v16 =	vsel vm6, v16, v47;
	v31 =	vld [tilespmem:s30+$0x110]  }
0x136: {  	[tilespmem:s10+$0x190] =	vst v16;
	v32 =	vld [tilespmem:s30+$0x150]  }
0x137: {  	v16 =	vld [tilespmem:s30+$0x1A0];
	v18 =	vsel vm7, v25, v54  }
0x138: {  	v28 =	vld [tilespmem:s30+$0x1E0];
	[tilespmem:s10+$0xFFFFFE90] =	vst v18  }
0x139: {  	v17 =	vsel vm8, v56, v57;
	v35 =	vld [tilespmem:s30+$0xFFFFFEA0]  }
0x13a: {  	[tilespmem:s10+$0xFFFFFF10] =	vst v17;
	v36 =	vld [tilespmem:s30+$0xFFFFFEE0]  }
0x13b: {  	v21 =	vsel vm9, v59, v60;
	v37 =	vld [tilespmem:s30+$0xFFFFFF20]  }
0x13c: {  	[tilespmem:s10+$0xFFFFFF90] =	vst v21;
	v38 =	vld [tilespmem:s30+$0xFFFFFF60]  }
0x13d: {  	v2 =	vsel vm10, v62, v2;
	v39 =	vld [tilespmem:s30+$0xFFFFFFA0]  }
0x13e: {  	[tilespmem:s10+$0x10] =	vst v2;
	v2 =	vld [tilespmem:s30+$0xFFFFFFE0]  }
0x13f: {  	v15 =	vsel vm11, v22, v63;
	v40 =	vld [tilespmem:s30+$0x20]  }
0x140: {  	[tilespmem:s10+$0x90] =	vst v15;
	v41 =	vld [tilespmem:s30+$0x60]  }
0x141: {  	v20 =	vsel vm12, v31, v32;
	v42 =	vld [tilespmem:s30+$0xA0]  }
0x142: {  	[tilespmem:s10+$0x110] =	vst v20;
	v43 =	vld [tilespmem:s30+$0xE0]  }
0x143: {  	v18 =	vsel vm13, v33, v34;
	v44 =	vld [tilespmem:s30+$0x120]  }
0x144: {  	[tilespmem:s10+$0xFFFFFE10] =	vst v18;
	v45 =	vld [tilespmem:s30+$0x160]  }
0x145: {  	v16 =	vsel vm6, v16, v28;
	v46 =	vld [tilespmem:s30+$0xFFFFFE20]  }
0x146: {  	[tilespmem:s10+$0x1A0] =	vst v16;
	v47 =	vld [tilespmem:s30+$0xFFFFFE60]  }
0x147: {  	v19 =	vld [tilespmem:s30+$0x1B0];
	v17 =	vsel vm7, v35, v36  }
0x148: {  	v3 =	vsel vm5, v3, v5;
	v16 =	vld [tilespmem:s30+$0x1F0];
	[tilespmem:s10+$0xFFFFFEA0] =	vst v17  }
0x149: {  	[tilespmem:s28+$0xFFFFFF30] =	vst v3;
	v3 =	vsel vm8, v37, v38;
	v17 =	vld [tilespmem:s30+$0xFFFFFEB0]  }
0x14a: {  	v4 =	vsel vm4, v4, v6;
	[tilespmem:s10+$0xFFFFFF20] =	vst v3;
	v3 =	vld [tilespmem:s30+$0xFFFFFEF0]  }
0x14b: {  	[tilespmem:s28+$0xFFFFFFB0] =	vst v4;
	v2 =	vsel vm9, v39, v2;
	v48 =	vld [tilespmem:s30+$0xFFFFFF30]  }
0x14c: {  	v12 =	vsel vm1, v12, v13;
	[tilespmem:s10+$0xFFFFFFA0] =	vst v2;
	v2 =	vld [tilespmem:s30+$0xFFFFFF70]  }
0x14d: {  	[tilespmem:s28+$0x130] =	vst v12;
	v50 =	vsel vm10, v40, v41;
	v51 =	vld [tilespmem:s30+$0xFFFFFFB0]  }
0x14e: {  	v10 =	vsel vm0, v10, v11;
	[tilespmem:s10+$0x20] =	vst v50;
	v53 =	vld [tilespmem:s30+$0xFFFFFFF0]  }
0x14f: {  	[tilespmem:s28+$0xFFFFFE30] =	vst v10;
	v54 =	vsel vm11, v42, v43;
	v55 =	vld [tilespmem:s30+$0x30]  }
0x150: {  	v49 =	vsel vm3, v7, v8;
	[tilespmem:s10+$0xA0] =	vst v54;
	v56 =	vld [tilespmem:s30+$0x70]  }
0x151: {  	[tilespmem:s28+$0x30] =	vst v49;
	v57 =	vsel vm12, v44, v45;
	v58 =	vld [tilespmem:s30+$0xB0]  }
0x152: {  	v52 =	vsel vm2, v9, v14;
	[tilespmem:s10+$0x120] =	vst v57;
	v59 =	vld [tilespmem:s30+$0xF0]  }
0x153: {  	[tilespmem:s28+$0xB0] =	vst v52;
	v5 =	vsel vm13, v46, v47;
	v60 =	vld [tilespmem:s30+$0x130]  }
0x154: {  	v61 =	vsel vm6, v19, v16;
	[tilespmem:s10+$0xFFFFFE20] =	vst v5;
	v62 =	vld [tilespmem:s30+$0x170]  }
0x155: {  	[tilespmem:s10+$0x1B0] =	vst v61;
	v63 =	vld [tilespmem:s30+$0xFFFFFE30];
	v3 =	vsel vm7, v17, v3  }
0x156: {  	v2 =	vsel vm8, v48, v2;
	[tilespmem:s10+$0xFFFFFEB0] =	vst v3;
	v3 =	vld [tilespmem:s30+$0xFFFFFE70]  }
0x157: {  	[tilespmem:s10+$0xFFFFFF30] =	vst v2;
	v2 =	vsel vm9, v51, v53  }
0x158: {  	[tilespmem:s10+$0xFFFFFFB0] =	vst v2;
	v2 =	vsel vm10, v55, v56  }
0x159: {  	[tilespmem:s10+$0x30] =	vst v2;
	v2 =	vsel vm11, v58, v59  }
0x15a: {  	[tilespmem:s10+$0xB0] =	vst v2;
	v2 =	vsel vm12, v60, v62  }
0x15b: {  	[tilespmem:s10+$0x130] =	vst v2;
	v2 =	vsel vm13, v63, v3  }
0x15c: {  	s31 =	simm.s32 $0x7470;
	s28 =	simm.s32 $0x30;
	s30 =	simm.s32 $0xAC30;
	[tilespmem:s10+$0xFFFFFE30] =	vst v2  }
.LBB2_7:
0x15d: {  	s0 =	sshll.u32 s28, $0x7  }
0x15e: {  	s0 =	sadd.s32 s26, s0  }
0x15f: {  	v2 =	vmov s0;
	_ =	sdelay $0x4  }
0x160: {  	v2 =	vld.idx.msk [tilespmem:v2+s2+$0x0], $0xffff  }
0x161: {  	v3 =	vld [tilespmem:s31+$0xFFFFFF90]  }
0x162: {  	v4 =	vld [tilespmem:s31+$0xFFFFFFD0];
	_ =	sdelay $0x2  }
0x163: {  	v2 =	vand.u32 $0x1, v2  }
0x164: {  	vm0 =	veq.s32 v2, $0x0  }
0x165: {  	v2 =	vsel vm0, v3, v4  }
0x166: {  	[tilespmem:s30+$0xFFFFFFD0] =	vst v2  }
0x167: {  	v2 =	vld [tilespmem:s31+$0xFFFFFFA0]  }
0x168: {  	v3 =	vld [tilespmem:s31+$0xFFFFFFE0];
	_ =	sdelay $0x4  }
0x169: {  	v2 =	vsel vm0, v2, v3  }
0x16a: {  	[tilespmem:s30+$0xFFFFFFE0] =	vst v2  }
0x16b: {  	v2 =	vld [tilespmem:s31+$0xFFFFFFB0]  }
0x16c: {  	v3 =	vld [tilespmem:s31+$0xFFFFFFF0];
	_ =	sdelay $0x4  }
0x16d: {  	v2 =	vsel vm0, v2, v3  }
0x16e: {  	[tilespmem:s30+$0xFFFFFFF0] =	vst v2  }
0x16f: {  	v2 =	vld [tilespmem:s31+$0xFFFFFFC0]  }
0x170: {  	v3 =	vld [tilespmem:s31+$0x0]  }
0x171: {  	p1 =	sne.s32 s28, $0x31  }
.Ltmp2:
0x172: {  	_ = 	snop;
	(pc) =	sbr.rel @p1 .LBB2_7-.Ltmp2, $3  }
0x173: {  	_ =	sdelay $0x1  }
0x174: {  	v2 =	vsel vm0, v2, v3  }
0x175: {  	s28 =	sadd.s32 $0x1, s28;
	s31 =	sadd.s32 $0x80, s31;
	[tilespmem:s30+$0x0] =	vst v2;
	s30 =	sadd.s32 $0x80, s30  }
0x176: {  	p1 =	sne.s32 s24, $0x3F  }
.Ltmp3:
0x177: {  	s0 =	sadd.s32 s3, s26;
	(pc) =	sbr.rel @p1 .LBB2_10-.Ltmp3, $3  }
0x178: {  	s0 =	smul.u32 $0x380, s0;
	_ =	sdelay $0x1  }
0x179: {  	s0 =	sadd.s32 s6, s0  }
0x17a: {  	[hbm4b:s0+s2] =	stream.linear.scatter [tilespmem:s18], [sflag:$0x3], $0x1900, $0x38;
	[tilespmem:$0xCC00] =	vst v63  }
.Ltmp4:
0x17b: {  	(pc) =	sbr.rel .LBB2_11-.Ltmp4, $4  }
0x17c: {  	_ = 	snop  }
0x17d: {  	_ =	swait.ge [sflag:s19], $0x1900  }
0x17e: {  	[sflag:s19] =	ssyncset.done $0x0  }
0x17f: {  	[sflag:s19] =	ssyncadd.s32 $0xFFFFE700  }
.LBB2_10:
0x180: {  	s0 =	sshll.u32 s24, $0x8  }
0x181: {  	s0 =	sand.u32 $0x3FFFFF00, s0  }
.Ltmp5:
0x182: {  	s0 =	sadd.s32 $0x1D00, s0;
	(pc) =	sbr.rel @p0 .LBB2_12-.Ltmp5, $4  }
0x183: {  	[tilespmem:s15], [sflag:$0x1] =	stream.indirect.gather [hbm4b:s4+s14], $0x80, s0, s14, $0xb8;
	[tilespmem:$0xCC00] =	vst v63  }
0x184: {  	_ =	swait.ge [sflag:s19], $0x1900  }
0x185: {  	[sflag:s19] =	ssyncset.done $0x0  }
0x186: {  	[sflag:s19] =	ssyncadd.s32 $0xFFFFE700  }
.LBB2_11:
0x187: {  	_ =	swait.ge [sflag:s20], $0x1900  }
0x188: {  	[sflag:s20] =	ssyncset.done $0x0  }
0x189: {  	[sflag:s20] =	ssyncadd.s32 $0xFFFFE700  }
.LBB2_12:
0x18a: {  	s28 =	simm.s32 $0x7A00  }
0x18b: {  	v11 =	vld [tilespmem:s28+$0x180]  }
0x18c: {  	v12 =	vld [tilespmem:s28+$0x1C0]  }
0x18d: {  	v2 =	vmov s25;
	v13 =	vld [tilespmem:s28+$0xFFFFFE40]  }
0x18e: {  	s0 =	simm.s32 $0x380;
	v2 =	vand.u32 $0x7F, v2;
	v14 =	vld [tilespmem:s28+$0xFFFFFE80]  }
0x18f: {  	s1 =	simm.s32 $0x80;
	v15 =	vld [tilespmem:s28+$0xFFFFFEC0];
	v3 =	vor.u32 s0, v2  }
0x190: {  	s31 =	simm.s32 $0x100;
	v16 =	vld [tilespmem:s28+$0xFFFFFF00];
	v4 =	vor.u32 s1, v2;
	v3 =	vbroadcast v3, $0x0  }
0x191: {  	s9 =	simm.s32 $0x200;
	v18 =	vld [tilespmem:s28+$0xFFFFFF80];
	v5 =	vor.u32 s31, v2;
	v4 =	vbroadcast v4, $0x0  }
0x192: {  	s10 =	simm.s32 $0x280;
	v19 =	vld [tilespmem:s28+$0xFFFFFFC0];
	v7 =	vor.u32 s9, v2;
	v5 =	vbroadcast v5, $0x0  }
0x193: {  	v20 =	vld [tilespmem:s28+$0x0];
	s1 =	simm.s32 $0x180;
	v8 =	vor.u32 s10, v2;
	v7 =	vbroadcast v7, $0x0  }
0x194: {  	v21 =	vld [tilespmem:s28+$0x40];
	s31 =	simm.s32 $0x0;
	v6 =	vor.u32 s1, v2;
	v8 =	vbroadcast v8, $0x0  }
0x195: {  	s26 =	simm.s32 $0x300;
	v22 =	vld [tilespmem:s28+$0x80];
	v10 =	vor.u32 s31, v2;
	v6 =	vbroadcast v6, $0x0  }
0x196: {  	v9 =	vor.u32 s26, v2;
	v10 =	vbroadcast v10, $0x0;
	v3 =	vld.idx.msk [tilespmem:v3+s2+$0x0], $0xffff  }
0x197: {  	v9 =	vbroadcast v9, $0x0;
	v4 =	vld.idx.msk [tilespmem:v4+s2+$0x0], $0xffff  }
0x198: {  	v5 =	vld.idx.msk [tilespmem:v5+s2+$0x0], $0xffff  }
0x199: {  	v7 =	vld.idx.msk [tilespmem:v7+s2+$0x0], $0xffff  }
0x19a: {  	v8 =	vld.idx.msk [tilespmem:v8+s2+$0x0], $0xffff  }
0x19b: {  	v6 =	vld.idx.msk [tilespmem:v6+s2+$0x0], $0xffff;
	v3 =	vand.u32 $0x1, v3  }
0x19c: {  	v10 =	vld.idx.msk [tilespmem:v10+s2+$0x0], $0xffff;
	vm6 =	veq.s32 v3, $0x0  }
0x19d: {  	s26 =	simm.s32 $0xB200;
	v3 =	vld.idx.msk [tilespmem:v9+s2+$0x0], $0xffff;
	v9 =	vsel vm6, v11, v12  }
0x19e: {  	v12 =	vld [tilespmem:s28+$0xFFFFFE00];
	[tilespmem:s26+$0x180] =	vst v9  }
0x19f: {  	v4 =	vand.u32 $0x1, v4;
	v9 =	vld [tilespmem:s28+$0x190]  }
0x1a0: {  	v5 =	vand.u32 $0x1, v5;
	vm7 =	veq.s32 v4, $0x0;
	v11 =	vld [tilespmem:s28+$0x1D0]  }
0x1a1: {  	vm5 =	veq.s32 v5, $0x0;
	v5 =	vld [tilespmem:s28+$0x140];
	v14 =	vsel vm7, v14, v15  }
0x1a2: {  	v10 =	vand.u32 $0x1, v10;
	v15 =	vld [tilespmem:s28+$0x100];
	[tilespmem:s26+$0xFFFFFE80] =	vst v14  }
0x1a3: {  	v6 =	vand.u32 $0x1, v6;
	vm0 =	veq.s32 v10, $0x0;
	v14 =	vld [tilespmem:s28+$0xFFFFFE90]  }
0x1a4: {  	vm4 =	veq.s32 v6, $0x0;
	v6 =	vld [tilespmem:s28+$0xFFFFFED0];
	v10 =	vsel vm0, v12, v13  }
0x1a5: {  	v3 =	vand.u32 $0x1, v3;
	[tilespmem:s26+$0xFFFFFE00] =	vst v10;
	v9 =	vsel vm6, v9, v11;
	v11 =	vld [tilespmem:s28+$0xFFFFFF40]  }
0x1a6: {  	vm1 =	veq.s32 v3, $0x0;
	v13 =	vld [tilespmem:s28+$0xFFFFFE10];
	[tilespmem:s26+$0x190] =	vst v9  }
0x1a7: {  	v5 =	vsel vm1, v15, v5;
	v9 =	vld [tilespmem:s28+$0x1A0]  }
0x1a8: {  	[tilespmem:s26+$0x100] =	vst v5;
	v17 =	vld [tilespmem:s28+$0x1E0]  }
0x1a9: {  	v12 =	vld [tilespmem:s28+$0x110]  }
0x1aa: {  	v6 =	vsel vm7, v14, v6;
	v10 =	vld [tilespmem:s28+$0x150]  }
0x1ab: {  	[tilespmem:s26+$0xFFFFFE90] =	vst v6;
	v6 =	vld [tilespmem:s28+$0xFFFFFE50]  }
0x1ac: {  	v14 =	vld [tilespmem:s28+$0xFFFFFEA0];
	v11 =	vsel vm5, v16, v11  }
0x1ad: {  	[tilespmem:s26+$0xFFFFFF00] =	vst v11;
	v9 =	vsel vm6, v9, v17;
	v17 =	vld [tilespmem:s28+$0xC0]  }
0x1ae: {  	v7 =	vand.u32 $0x1, v7;
	v11 =	vsel vm4, v18, v19;
	v16 =	vld [tilespmem:s28+$0xFFFFFF10]  }
0x1af: {  	vm3 =	veq.s32 v7, $0x0;
	[tilespmem:s26+$0xFFFFFF80] =	vst v11;
	v7 =	vld [tilespmem:s28+$0xFFFFFF50]  }
0x1b0: {  	v8 =	vand.u32 $0x1, v8;
	v10 =	vsel vm1, v12, v10;
	v18 =	vld [tilespmem:s28+$0xFFFFFF90]  }
0x1b1: {  	vm2 =	veq.s32 v8, $0x0;
	v6 =	vsel vm0, v13, v6;
	[tilespmem:s26+$0x110] =	vst v10;
	v8 =	vld [tilespmem:s28+$0xFFFFFFD0]  }
0x1b2: {  	[tilespmem:s26+$0xFFFFFE10] =	vst v6;
	v13 =	vld [tilespmem:s28+$0x120]  }
0x1b3: {  	[tilespmem:s26+$0x1A0] =	vst v9;
	v6 =	vld [tilespmem:s28+$0x160]  }
0x1b4: {  	v11 =	vsel vm3, v20, v21;
	v9 =	vld [tilespmem:s28+$0x1B0]  }
0x1b5: {  	[tilespmem:s26+$0x0] =	vst v11;
	v4 =	vld [tilespmem:s28+$0x1F0]  }
0x1b6: {  	v3 =	vld [tilespmem:s28+$0x50];
	v11 =	vsel vm2, v22, v17  }
0x1b7: {  	v17 =	vld [tilespmem:s28+$0x10];
	v7 =	vsel vm5, v16, v7;
	[tilespmem:s26+$0x80] =	vst v11  }
0x1b8: {  	[tilespmem:s26+$0xFFFFFF10] =	vst v7;
	v7 =	vld [tilespmem:s28+$0xFFFFFEE0]  }
0x1b9: {  	v11 =	vld [tilespmem:s28+$0x90]  }
0x1ba: {  	v5 =	vld [tilespmem:s28+$0xD0]  }
0x1bb: {  	v8 =	vsel vm4, v18, v8;
	v15 =	vld [tilespmem:s28+$0xFFFFFF20]  }
0x1bc: {  	[tilespmem:s26+$0xFFFFFF90] =	vst v8;
	v8 =	vld [tilespmem:s28+$0xFFFFFF60]  }
0x1bd: {  	v16 =	vld [tilespmem:s28+$0xFFFFFFA0];
	v3 =	vsel vm3, v17, v3  }
0x1be: {  	[tilespmem:s26+$0x10] =	vst v3;
	v3 =	vld [tilespmem:s28+$0xFFFFFFE0]  }
0x1bf: {  	v7 =	vsel vm7, v14, v7;
	v14 =	vld [tilespmem:s28+$0xFFFFFE20]  }
0x1c0: {  	v5 =	vsel vm2, v11, v5;
	v11 =	vld [tilespmem:s28+$0x20]  }
0x1c1: {  	[tilespmem:s26+$0xFFFFFEA0] =	vst v7;
	v7 =	vld [tilespmem:s28+$0xFFFFFE60]  }
0x1c2: {  	[tilespmem:s26+$0x90] =	vst v5;
	v5 =	vld [tilespmem:s28+$0x60]  }
0x1c3: {  	v12 =	vld [tilespmem:s28+$0xA0]  }
0x1c4: {  	v4 =	vsel vm6, v9, v4;
	v10 =	vld [tilespmem:s28+$0xE0]  }
0x1c5: {  	[tilespmem:s26+$0x1B0] =	vst v4;
	v4 =	vsel vm5, v15, v8;
	v8 =	vld [tilespmem:s28+$0xFFFFFEB0]  }
0x1c6: {  	[tilespmem:s26+$0xFFFFFF20] =	vst v4;
	v9 =	vld [tilespmem:s28+$0xFFFFFEF0];
	v3 =	vsel vm4, v16, v3  }
0x1c7: {  	v6 =	vsel vm1, v13, v6;
	[tilespmem:s26+$0xFFFFFFA0] =	vst v3;
	v3 =	vld [tilespmem:s28+$0xFFFFFF30]  }
0x1c8: {  	[tilespmem:s26+$0x120] =	vst v6;
	v4 =	vsel vm3, v11, v5;
	v5 =	vld [tilespmem:s28+$0xFFFFFF70]  }
0x1c9: {  	v6 =	vld [tilespmem:s28+$0xFFFFFFF0];
	[tilespmem:s26+$0x20] =	vst v4;
	v4 =	vsel vm2, v12, v10  }
0x1ca: {  	s9 =	simm.s32 $0x400;
	v7 =	vsel vm0, v14, v7;
	[tilespmem:s26+$0xA0] =	vst v4;
	v4 =	vld [tilespmem:s28+$0xFFFFFFB0]  }
0x1cb: {  	s10 =	simm.s32 $0x480;
	s31 =	simm.s32 $0x500;
	v15 =	vor.u32 s9, v2;
	s9 =	simm.s32 $0x780;
	[tilespmem:s26+$0xFFFFFE20] =	vst v7;
	v9 =	vsel vm7, v8, v9;
	v7 =	vld [tilespmem:s28+$0x30]  }
0x1cc: {  	s24 =	sadd.s32 $0x1, s24;
	v11 =	vor.u32 s10, v2;
	s10 =	simm.s32 $0x580;
	v10 =	vor.u32 s31, v2;
	s31 =	simm.s32 $0x600;
	v12 =	vor.u32 s9, v2;
	v8 =	vld [tilespmem:s28+$0x70]  }
0x1cd: {  	s30 =	simm.s32 $0x680;
	s29 =	simm.s32 $0x10;
	s0 =	simm.s32 $0x700;
	v18 =	vor.u32 s10, v2;
	[tilespmem:s26+$0xFFFFFEB0] =	vst v9;
	v17 =	vor.u32 s31, v2;
	v16 =	vbroadcast v12, $0x0;
	v9 =	vld [tilespmem:s28+$0xB0]  }
.LBB2_13:
0x1ce: {  	p0 =	slt.u32 s29, $0x28;
	v11 =	vbroadcast v11, $0x0;
	v12 =	vor.u32 s30, v2;
	v13 =	vor.u32 s0, v2;
	v14 =	vld [tilespmem:s28+$0xF0]  }
0x1cf: {  	v10 =	vbroadcast v10, $0x0;
	v18 =	vbroadcast v18, $0x0;
	v3 =	vsel vm5, v3, v5;
	v5 =	vld [tilespmem:s28+$0x130]  }
0x1d0: {  	v17 =	vbroadcast v17, $0x0;
	v12 =	vbroadcast v12, $0x0;
	[tilespmem:s26+$0xFFFFFF30] =	vst v3;
	v3 =	vsel vm4, v4, v6;
	v4 =	vld [tilespmem:s28+$0x170]  }
0x1d1: {  	v13 =	vbroadcast v13, $0x0;
	v6 =	vbroadcast v15, $0x0;
	v15 =	vld [tilespmem:s28+$0xFFFFFE30];
	[tilespmem:s26+$0xFFFFFFB0] =	vst v3;
	v3 =	vsel vm3, v7, v8  }
0x1d2: {  	v7 =	vld [tilespmem:s28+$0xFFFFFE70];
	[tilespmem:s26+$0x30] =	vst v3  }
0x1d3: {  	v3 =	vld.idx.msk [tilespmem:v16+s2+$0x0], $0xffff;
	v8 =	vsel vm2, v9, v14  }
0x1d4: {  	s28 =	sadd.s32 $0x400, s28;
	v9 =	vld.idx.msk [tilespmem:v11+s2+$0x0], $0xffff;
	[tilespmem:s26+$0xB0] =	vst v8  }
0x1d5: {  	v8 =	vld [tilespmem:s28+$0x180];
	v4 =	vsel vm1, v5, v4  }
0x1d6: {  	v5 =	vld [tilespmem:s28+$0x1C0];
	[tilespmem:s26+$0x130] =	vst v4  }
0x1d7: {  	v4 =	vld.idx.msk [tilespmem:v10+s2+$0x0], $0xffff;
	v7 =	vsel vm0, v15, v7  }
0x1d8: {  	v10 =	vld.idx.msk [tilespmem:v18+s2+$0x0], $0xffff;
	[tilespmem:s26+$0xFFFFFE30] =	vst v7  }
0x1d9: {  	v3 =	vand.u32 $0x1, v3;
	v7 =	vld.idx.msk [tilespmem:v17+s2+$0x0], $0xffff  }
0x1da: {  	v9 =	vand.u32 $0x1, v9;
	vm7 =	veq.s32 v3, $0x0;
	v11 =	vld.idx.msk [tilespmem:v12+s2+$0x0], $0xffff  }
0x1db: {  	s26 =	sadd.s32 $0x400, s26;
	vm6 =	veq.s32 v9, $0x0;
	v3 =	vld.idx.msk [tilespmem:v13+s2+$0x0], $0xffff;
	v5 =	vsel vm7, v8, v5  }
0x1dc: {  	v6 =	vld.idx.msk [tilespmem:v6+s2+$0x0], $0xffff;
	[tilespmem:s26+$0x180] =	vst v5  }
0x1dd: {  	v4 =	vand.u32 $0x1, v4;
	v5 =	vld [tilespmem:s28+$0x190]  }
0x1de: {  	vm5 =	veq.s32 v4, $0x0;
	v4 =	vand.u32 $0x1, v10;
	v8 =	vld [tilespmem:s28+$0x1D0]  }
0x1df: {  	vm4 =	veq.s32 v4, $0x0;
	v4 =	vand.u32 $0x1, v7;
	v9 =	vld [tilespmem:s28+$0xFFFFFE00]  }
0x1e0: {  	vm3 =	veq.s32 v4, $0x0;
	v4 =	vand.u32 $0x1, v11;
	v7 =	vld [tilespmem:s28+$0xFFFFFE40]  }
0x1e1: {  	vm2 =	veq.s32 v4, $0x0;
	v3 =	vand.u32 $0x1, v3;
	v10 =	vld [tilespmem:s28+$0xFFFFFE80]  }
0x1e2: {  	v4 =	vand.u32 $0x1, v6;
	vm1 =	veq.s32 v3, $0x0;
	v6 =	vld [tilespmem:s28+$0xFFFFFEC0]  }
0x1e3: {  	vm0 =	veq.s32 v4, $0x0;
	v3 =	vld [tilespmem:s28+$0xFFFFFF00];
	v4 =	vsel vm7, v5, v8  }
0x1e4: {  	v5 =	vld [tilespmem:s28+$0xFFFFFF40];
	[tilespmem:s26+$0x190] =	vst v4  }
0x1e5: {  	v4 =	vsel vm0, v9, v7;
	v7 =	vld [tilespmem:s28+$0x1A0]  }
0x1e6: {  	[tilespmem:s26+$0xFFFFFE00] =	vst v4;
	v4 =	vld [tilespmem:s28+$0x1E0]  }
0x1e7: {  	v6 =	vsel vm6, v10, v6;
	v8 =	vld [tilespmem:s28+$0xFFFFFF80]  }
0x1e8: {  	[tilespmem:s26+$0xFFFFFE80] =	vst v6;
	v6 =	vld [tilespmem:s28+$0xFFFFFFC0]  }
0x1e9: {  	v3 =	vsel vm5, v3, v5;
	v5 =	vld [tilespmem:s28+$0x0]  }
0x1ea: {  	[tilespmem:s26+$0xFFFFFF00] =	vst v3;
	v3 =	vld [tilespmem:s28+$0x40]  }
0x1eb: {  	v9 =	vld [tilespmem:s28+$0x80];
	v4 =	vsel vm7, v7, v4  }
0x1ec: {  	v7 =	vld [tilespmem:s28+$0xC0];
	[tilespmem:s26+$0x1A0] =	vst v4  }
0x1ed: {  	v4 =	vsel vm4, v8, v6;
	v6 =	vld [tilespmem:s28+$0x1B0]  }
0x1ee: {  	[tilespmem:s26+$0xFFFFFF80] =	vst v4;
	v4 =	vld [tilespmem:s28+$0x1F0]  }
0x1ef: {  	v3 =	vsel vm3, v5, v3;
	v5 =	vld [tilespmem:s28+$0x100]  }
0x1f0: {  	[tilespmem:s26+$0x0] =	vst v3;
	v3 =	vld [tilespmem:s28+$0x140]  }
0x1f1: {  	v8 =	vld [tilespmem:s28+$0xFFFFFE90];
	v7 =	vsel vm2, v9, v7  }
0x1f2: {  	v9 =	vld [tilespmem:s28+$0xFFFFFED0];
	[tilespmem:s26+$0x80] =	vst v7  }
0x1f3: {  	v7 =	vld [tilespmem:s28+$0xFFFFFF10];
	v4 =	vsel vm7, v6, v4  }
0x1f4: {  	v6 =	vld [tilespmem:s28+$0xFFFFFF50];
	[tilespmem:s26+$0x1B0] =	vst v4  }
0x1f5: {  	v4 =	vld [tilespmem:s28+$0xFFFFFF90];
	v3 =	vsel vm1, v5, v3  }
0x1f6: {  	v5 =	vld [tilespmem:s28+$0xFFFFFFD0];
	[tilespmem:s26+$0x100] =	vst v3  }
0x1f7: {  	v3 =	vsel vm6, v8, v9;
	v8 =	vld [tilespmem:s28+$0x10]  }
0x1f8: {  	[tilespmem:s26+$0xFFFFFE90] =	vst v3;
	v3 =	vld [tilespmem:s28+$0x50]  }
0x1f9: {  	v6 =	vsel vm5, v7, v6;
	v7 =	vld [tilespmem:s28+$0x90]  }
0x1fa: {  	[tilespmem:s26+$0xFFFFFF10] =	vst v6;
	v6 =	vld [tilespmem:s28+$0xD0]  }
0x1fb: {  	v4 =	vsel vm4, v4, v5;
	v5 =	vld [tilespmem:s28+$0x110]  }
0x1fc: {  	[tilespmem:s26+$0xFFFFFF90] =	vst v4;
	v4 =	vld [tilespmem:s28+$0x150]  }
0x1fd: {  	v9 =	vld [tilespmem:s28+$0xFFFFFE10];
	v3 =	vsel vm3, v8, v3  }
0x1fe: {  	v8 =	vld [tilespmem:s28+$0xFFFFFE50];
	[tilespmem:s26+$0x10] =	vst v3  }
0x1ff: {  	v3 =	vld [tilespmem:s28+$0xFFFFFEA0];
	v6 =	vsel vm2, v7, v6  }
0x200: {  	v7 =	vld [tilespmem:s28+$0xFFFFFEE0];
	[tilespmem:s26+$0x90] =	vst v6  }
0x201: {  	v6 =	vld [tilespmem:s28+$0xFFFFFF20];
	v4 =	vsel vm1, v5, v4  }
0x202: {  	v5 =	vld [tilespmem:s28+$0xFFFFFF60];
	[tilespmem:s26+$0x110] =	vst v4  }
0x203: {  	v4 =	vsel vm0, v9, v8;
	v8 =	vld [tilespmem:s28+$0xFFFFFFA0]  }
0x204: {  	[tilespmem:s26+$0xFFFFFE10] =	vst v4;
	v4 =	vld [tilespmem:s28+$0xFFFFFFE0]  }
0x205: {  	v3 =	vsel vm6, v3, v7;
	v7 =	vld [tilespmem:s28+$0x20]  }
0x206: {  	[tilespmem:s26+$0xFFFFFEA0] =	vst v3;
	v3 =	vld [tilespmem:s28+$0x60]  }
0x207: {  	v5 =	vsel vm5, v6, v5;
	v6 =	vld [tilespmem:s28+$0xA0]  }
0x208: {  	[tilespmem:s26+$0xFFFFFF20] =	vst v5;
	v5 =	vld [tilespmem:s28+$0xE0]  }
0x209: {  	v4 =	vsel vm4, v8, v4;
	v8 =	vld [tilespmem:s28+$0x120]  }
0x20a: {  	[tilespmem:s26+$0xFFFFFFA0] =	vst v4;
	v4 =	vld [tilespmem:s28+$0x160]  }
0x20b: {  	v9 =	vld [tilespmem:s28+$0xFFFFFE20];
	v3 =	vsel vm3, v7, v3  }
0x20c: {  	v7 =	vld [tilespmem:s28+$0xFFFFFE60];
	[tilespmem:s26+$0x20] =	vst v3  }
0x20d: {  	v10 =	vld [tilespmem:s28+$0xFFFFFEB0];
	v3 =	vsel vm2, v6, v5  }
0x20e: {  	v11 =	vld [tilespmem:s28+$0xFFFFFEF0];
	[tilespmem:s26+$0xA0] =	vst v3  }
0x20f: {  	v3 =	vld [tilespmem:s28+$0xFFFFFF30];
	v4 =	vsel vm1, v8, v4  }
0x210: {  	v5 =	vld [tilespmem:s28+$0xFFFFFF70];
	[tilespmem:s26+$0x120] =	vst v4  }
.Ltmp6:
0x211: {  	v6 =	vsel vm0, v9, v7;
	v4 =	vld [tilespmem:s28+$0xFFFFFFB0];
	(pc) =	sbr.rel @p0 .LBB2_13-.Ltmp6, $4  }
0x212: {  	s0 =	sshll.u32 s29, $0x7;
	[tilespmem:s26+$0xFFFFFE20] =	vst v6;
	v6 =	vld [tilespmem:s28+$0xFFFFFFF0]  }
0x213: {  	s1 =	sadd.s32 $0x80, s0;
	s9 =	sadd.s32 $0x100, s0;
	s10 =	sadd.s32 $0x380, s0;
	v15 =	vor.u32 s0, v2;
	v9 =	vsel vm6, v10, v11;
	v7 =	vld [tilespmem:s28+$0x30]  }
0x214: {  	s30 =	sadd.s32 $0x280, s0;
	v12 =	vor.u32 s10, v2;
	v11 =	vor.u32 s1, v2;
	v10 =	vor.u32 s9, v2;
	s1 =	sadd.s32 $0x180, s0;
	s9 =	sadd.s32 $0x200, s0;
	v8 =	vld [tilespmem:s28+$0x70]  }
0x215: {  	s29 =	sadd.s32 $0x8, s29;
	v16 =	vbroadcast v12, $0x0;
	s0 =	sadd.s32 $0x300, s0;
	v18 =	vor.u32 s1, v2;
	v17 =	vor.u32 s9, v2;
	[tilespmem:s26+$0xFFFFFEB0] =	vst v9;
	v9 =	vld [tilespmem:s28+$0xB0]  }
0x216: {  	v14 =	vld [tilespmem:s28+$0xF0]  }
0x217: {  	v12 =	vld [tilespmem:s28+$0x130]  }
0x218: {  	v13 =	vld [tilespmem:s28+$0x170]  }
0x219: {  	v20 =	vbroadcast v10, $0x0;
	v10 =	vld [tilespmem:s28+$0xFFFFFE30]  }
0x21a: {  	v19 =	vbroadcast v11, $0x0;
	v11 =	vld [tilespmem:s28+$0xFFFFFE70]  }
0x21b: {  	s29 =	sadd.s32 $0x400, s28;
	v16 =	vld.idx.msk [tilespmem:v16+s2+$0x0], $0xffff  }
0x21c: {  	v22 =	vld [tilespmem:s29+$0x180]  }
0x21d: {  	v23 =	vld [tilespmem:s29+$0x1C0]  }
0x21e: {  	v48 =	vld [tilespmem:s29+$0xFFFFFE00]  }
0x21f: {  	v24 =	vld [tilespmem:s29+$0xFFFFFE40]  }
0x220: {  	v25 =	vld [tilespmem:s29+$0xFFFFFE80]  }
0x221: {  	v26 =	vld [tilespmem:s29+$0xFFFFFEC0]  }
0x222: {  	v27 =	vld [tilespmem:s29+$0xFFFFFF00]  }
0x223: {  	v49 =	vld [tilespmem:s29+$0xFFFFFF40]  }
0x224: {  	v29 =	vld [tilespmem:s29+$0xFFFFFF80]  }
0x225: {  	v30 =	vld [tilespmem:s29+$0xFFFFFFC0]  }
0x226: {  	v31 =	vld [tilespmem:s29+$0x0]  }
0x227: {  	v32 =	vld [tilespmem:s29+$0x40]  }
0x228: {  	v18 =	vbroadcast v18, $0x0;
	v33 =	vld [tilespmem:s29+$0x80]  }
0x229: {  	v17 =	vbroadcast v17, $0x0;
	v50 =	vld [tilespmem:s29+$0xC0]  }
0x22a: {  	v21 =	vor.u32 s30, v2;
	v15 =	vbroadcast v15, $0x0;
	v52 =	vld [tilespmem:s29+$0x100]  }
0x22b: {  	v2 =	vor.u32 s0, v2;
	v21 =	vbroadcast v21, $0x0;
	v53 =	vld [tilespmem:s29+$0x140]  }
0x22c: {  	v2 =	vbroadcast v2, $0x0;
	v19 =	vld.idx.msk [tilespmem:v19+s2+$0x0], $0xffff  }
0x22d: {  	v20 =	vld.idx.msk [tilespmem:v20+s2+$0x0], $0xffff  }
0x22e: {  	v18 =	vld.idx.msk [tilespmem:v18+s2+$0x0], $0xffff  }
0x22f: {  	v17 =	vld.idx.msk [tilespmem:v17+s2+$0x0], $0xffff;
	v16 =	vand.u32 $0x1, v16  }
0x230: {  	v15 =	vld.idx.msk [tilespmem:v15+s2+$0x0], $0xffff;
	vm6 =	veq.s32 v16, $0x0  }
0x231: {  	s31 =	sadd.s32 $0x400, s26;
	v21 =	vld.idx.msk [tilespmem:v21+s2+$0x0], $0xffff;
	v16 =	vsel vm6, v22, v23;
	v51 =	vand.u32 $0x1, v19  }
0x232: {  	v2 =	vld.idx.msk [tilespmem:v2+s2+$0x0], $0xffff;
	[tilespmem:s31+$0x180] =	vst v16;
	vm7 =	veq.s32 v51, $0x0  }
0x233: {  	v16 =	vld [tilespmem:s29+$0x190];
	v20 =	vand.u32 $0x1, v20;
	v25 =	vsel vm7, v25, v26  }
0x234: {  	v47 =	vld [tilespmem:s29+$0x1D0];
	vm8 =	veq.s32 v20, $0x0;
	[tilespmem:s31+$0xFFFFFE80] =	vst v25  }
0x235: {  	v18 =	vand.u32 $0x1, v18;
	v22 =	vsel vm8, v27, v49;
	v25 =	vld [tilespmem:s29+$0xFFFFFE90]  }
0x236: {  	vm9 =	veq.s32 v18, $0x0;
	[tilespmem:s31+$0xFFFFFF00] =	vst v22;
	v54 =	vld [tilespmem:s29+$0xFFFFFED0]  }
0x237: {  	v17 =	vand.u32 $0x1, v17;
	v55 =	vsel vm9, v29, v30;
	v56 =	vld [tilespmem:s29+$0xFFFFFF10]  }
0x238: {  	vm10 =	veq.s32 v17, $0x0;
	[tilespmem:s31+$0xFFFFFF80] =	vst v55;
	v57 =	vld [tilespmem:s29+$0xFFFFFF50]  }
0x239: {  	v15 =	vand.u32 $0x1, v15;
	v58 =	vsel vm10, v31, v32;
	v59 =	vld [tilespmem:s29+$0xFFFFFF90]  }
0x23a: {  	vm13 =	veq.s32 v15, $0x0;
	[tilespmem:s31+$0x0] =	vst v58;
	v60 =	vld [tilespmem:s29+$0xFFFFFFD0]  }
0x23b: {  	v21 =	vand.u32 $0x1, v21;
	v2 =	vand.u32 $0x1, v2;
	v30 =	vsel vm13, v48, v24;
	v62 =	vld [tilespmem:s29+$0x10]  }
0x23c: {  	vm11 =	veq.s32 v21, $0x0;
	vm12 =	veq.s32 v2, $0x0;
	[tilespmem:s31+$0xFFFFFE00] =	vst v30;
	v2 =	vld [tilespmem:s29+$0x50]  }
0x23d: {  	v61 =	vsel vm11, v33, v50;
	v33 =	vld [tilespmem:s29+$0xFFFFFE10]  }
0x23e: {  	[tilespmem:s31+$0x80] =	vst v61;
	v34 =	vld [tilespmem:s29+$0xFFFFFE50]  }
0x23f: {  	v20 =	vsel vm12, v52, v53;
	v22 =	vld [tilespmem:s29+$0x90]  }
0x240: {  	[tilespmem:s31+$0x100] =	vst v20;
	v63 =	vld [tilespmem:s29+$0xD0]  }
0x241: {  	v16 =	vsel vm6, v16, v47;
	v31 =	vld [tilespmem:s29+$0x110]  }
0x242: {  	[tilespmem:s31+$0x190] =	vst v16;
	v32 =	vld [tilespmem:s29+$0x150]  }
0x243: {  	v16 =	vld [tilespmem:s29+$0x1A0];
	v18 =	vsel vm7, v25, v54  }
0x244: {  	v28 =	vld [tilespmem:s29+$0x1E0];
	[tilespmem:s31+$0xFFFFFE90] =	vst v18  }
0x245: {  	v17 =	vsel vm8, v56, v57;
	v35 =	vld [tilespmem:s29+$0xFFFFFEA0]  }
0x246: {  	[tilespmem:s31+$0xFFFFFF10] =	vst v17;
	v36 =	vld [tilespmem:s29+$0xFFFFFEE0]  }
0x247: {  	v21 =	vsel vm9, v59, v60;
	v37 =	vld [tilespmem:s29+$0xFFFFFF20]  }
0x248: {  	[tilespmem:s31+$0xFFFFFF90] =	vst v21;
	v38 =	vld [tilespmem:s29+$0xFFFFFF60]  }
0x249: {  	v2 =	vsel vm10, v62, v2;
	v39 =	vld [tilespmem:s29+$0xFFFFFFA0]  }
0x24a: {  	[tilespmem:s31+$0x10] =	vst v2;
	v2 =	vld [tilespmem:s29+$0xFFFFFFE0]  }
0x24b: {  	v15 =	vsel vm11, v22, v63;
	v40 =	vld [tilespmem:s29+$0x20]  }
0x24c: {  	[tilespmem:s31+$0x90] =	vst v15;
	v41 =	vld [tilespmem:s29+$0x60]  }
0x24d: {  	v20 =	vsel vm12, v31, v32;
	v42 =	vld [tilespmem:s29+$0xA0]  }
0x24e: {  	[tilespmem:s31+$0x110] =	vst v20;
	v43 =	vld [tilespmem:s29+$0xE0]  }
0x24f: {  	v18 =	vsel vm13, v33, v34;
	v44 =	vld [tilespmem:s29+$0x120]  }
0x250: {  	[tilespmem:s31+$0xFFFFFE10] =	vst v18;
	v45 =	vld [tilespmem:s29+$0x160]  }
0x251: {  	v16 =	vsel vm6, v16, v28;
	v46 =	vld [tilespmem:s29+$0xFFFFFE20]  }
0x252: {  	[tilespmem:s31+$0x1A0] =	vst v16;
	v47 =	vld [tilespmem:s29+$0xFFFFFE60]  }
0x253: {  	v19 =	vld [tilespmem:s29+$0x1B0];
	v17 =	vsel vm7, v35, v36  }
0x254: {  	v3 =	vsel vm5, v3, v5;
	v16 =	vld [tilespmem:s29+$0x1F0];
	[tilespmem:s31+$0xFFFFFEA0] =	vst v17  }
0x255: {  	[tilespmem:s26+$0xFFFFFF30] =	vst v3;
	v3 =	vsel vm8, v37, v38;
	v17 =	vld [tilespmem:s29+$0xFFFFFEB0]  }
0x256: {  	v4 =	vsel vm4, v4, v6;
	[tilespmem:s31+$0xFFFFFF20] =	vst v3;
	v3 =	vld [tilespmem:s29+$0xFFFFFEF0]  }
0x257: {  	[tilespmem:s26+$0xFFFFFFB0] =	vst v4;
	v2 =	vsel vm9, v39, v2;
	v48 =	vld [tilespmem:s29+$0xFFFFFF30]  }
0x258: {  	v12 =	vsel vm1, v12, v13;
	[tilespmem:s31+$0xFFFFFFA0] =	vst v2;
	v2 =	vld [tilespmem:s29+$0xFFFFFF70]  }
0x259: {  	[tilespmem:s26+$0x130] =	vst v12;
	v50 =	vsel vm10, v40, v41;
	v51 =	vld [tilespmem:s29+$0xFFFFFFB0]  }
0x25a: {  	v10 =	vsel vm0, v10, v11;
	[tilespmem:s31+$0x20] =	vst v50;
	v53 =	vld [tilespmem:s29+$0xFFFFFFF0]  }
0x25b: {  	[tilespmem:s26+$0xFFFFFE30] =	vst v10;
	v54 =	vsel vm11, v42, v43;
	v55 =	vld [tilespmem:s29+$0x30]  }
0x25c: {  	v49 =	vsel vm3, v7, v8;
	[tilespmem:s31+$0xA0] =	vst v54;
	v56 =	vld [tilespmem:s29+$0x70]  }
0x25d: {  	[tilespmem:s26+$0x30] =	vst v49;
	v57 =	vsel vm12, v44, v45;
	v58 =	vld [tilespmem:s29+$0xB0]  }
0x25e: {  	v52 =	vsel vm2, v9, v14;
	[tilespmem:s31+$0x120] =	vst v57;
	v59 =	vld [tilespmem:s29+$0xF0]  }
0x25f: {  	[tilespmem:s26+$0xB0] =	vst v52;
	v5 =	vsel vm13, v46, v47;
	v60 =	vld [tilespmem:s29+$0x130]  }
0x260: {  	v61 =	vsel vm6, v19, v16;
	[tilespmem:s31+$0xFFFFFE20] =	vst v5;
	v62 =	vld [tilespmem:s29+$0x170]  }
0x261: {  	[tilespmem:s31+$0x1B0] =	vst v61;
	v63 =	vld [tilespmem:s29+$0xFFFFFE30];
	v3 =	vsel vm7, v17, v3  }
0x262: {  	v2 =	vsel vm8, v48, v2;
	[tilespmem:s31+$0xFFFFFEB0] =	vst v3;
	v3 =	vld [tilespmem:s29+$0xFFFFFE70]  }
0x263: {  	[tilespmem:s31+$0xFFFFFF30] =	vst v2;
	v2 =	vsel vm9, v51, v53  }
0x264: {  	[tilespmem:s31+$0xFFFFFFB0] =	vst v2;
	v2 =	vsel vm10, v55, v56  }
0x265: {  	[tilespmem:s31+$0x30] =	vst v2;
	v2 =	vsel vm11, v58, v59  }
0x266: {  	[tilespmem:s31+$0xB0] =	vst v2;
	v2 =	vsel vm12, v60, v62  }
0x267: {  	[tilespmem:s31+$0x130] =	vst v2;
	v2 =	vsel vm13, v63, v3  }
0x268: {  	s30 =	simm.s32 $0x9070;
	s26 =	simm.s32 $0x30;
	s29 =	simm.s32 $0xC830;
	[tilespmem:s31+$0xFFFFFE30] =	vst v2  }
.LBB2_15:
0x269: {  	s0 =	sshll.u32 s26, $0x7  }
0x26a: {  	s0 =	sadd.s32 s25, s0  }
0x26b: {  	v2 =	vmov s0;
	_ =	sdelay $0x4  }
0x26c: {  	v2 =	vld.idx.msk [tilespmem:v2+s2+$0x0], $0xffff  }
0x26d: {  	v3 =	vld [tilespmem:s30+$0xFFFFFF90]  }
0x26e: {  	v4 =	vld [tilespmem:s30+$0xFFFFFFD0];
	_ =	sdelay $0x2  }
0x26f: {  	v2 =	vand.u32 $0x1, v2  }
0x270: {  	vm0 =	veq.s32 v2, $0x0  }
0x271: {  	v2 =	vsel vm0, v3, v4  }
0x272: {  	[tilespmem:s29+$0xFFFFFFD0] =	vst v2  }
0x273: {  	v2 =	vld [tilespmem:s30+$0xFFFFFFA0]  }
0x274: {  	v3 =	vld [tilespmem:s30+$0xFFFFFFE0];
	_ =	sdelay $0x4  }
0x275: {  	v2 =	vsel vm0, v2, v3  }
0x276: {  	[tilespmem:s29+$0xFFFFFFE0] =	vst v2  }
0x277: {  	v2 =	vld [tilespmem:s30+$0xFFFFFFB0]  }
0x278: {  	v3 =	vld [tilespmem:s30+$0xFFFFFFF0];
	_ =	sdelay $0x4  }
0x279: {  	v2 =	vsel vm0, v2, v3  }
0x27a: {  	[tilespmem:s29+$0xFFFFFFF0] =	vst v2  }
0x27b: {  	v2 =	vld [tilespmem:s30+$0xFFFFFFC0]  }
0x27c: {  	v3 =	vld [tilespmem:s30+$0x0]  }
0x27d: {  	p0 =	sne.s32 s26, $0x31  }
.Ltmp7:
0x27e: {  	_ = 	snop;
	(pc) =	sbr.rel @p0 .LBB2_15-.Ltmp7, $3  }
0x27f: {  	_ =	sdelay $0x1  }
0x280: {  	v2 =	vsel vm0, v2, v3  }
0x281: {  	s26 =	sadd.s32 $0x1, s26;
	s30 =	sadd.s32 $0x80, s30;
	[tilespmem:s29+$0x0] =	vst v2;
	s29 =	sadd.s32 $0x80, s29  }
0x282: {  	p0 =	sne.s32 s24, $0x40  }
.Ltmp8:
0x283: {  	s0 =	sadd.s32 s3, s25;
	(pc) =	sbr.rel @p0 .LBB2_4-.Ltmp8, $3  }
0x284: {  	s0 =	smul.u32 $0x380, s0;
	_ =	sdelay $0x1  }
0x285: {  	s0 =	sadd.s32 s6, s0  }
0x286: {  	[hbm4b:s0+s2] =	stream.linear.scatter [tilespmem:s21], [sflag:$0x4], $0x1900, $0x38;
	[tilespmem:$0xCC00] =	vst v63  }
0x287: {  	s23 =	sadd.s32 $0x1, s23  }
0x288: {  	_ =	swait.ge [sflag:s22], $0x1900;
	p0 =	sne.s32 s23, s8  }
.Ltmp9:
0x289: {  	[sflag:s22] =	ssyncset.done $0x0;
	(pc) =	sbr.rel @p0 .LBB2_1-.Ltmp9, $4  }
0x28a: {  	[sflag:s22] =	ssyncadd.s32 $0xFFFFE700  }
0x28b: {  	_ =	swait.ge [sflag:s20], $0x1900  }
0x28c: {  	[sflag:s20] =	ssyncset.done $0x0  }
0x28d: {  	[sflag:s20] =	ssyncadd.s32 $0xFFFFE700  }
0x28e: {  	_ =	sfence.sel $0x180000  }
0x28f: {  	[bflag:$0x0] =	sbarrier.arrive $0xFFFF  }
0x290: {  	_ =	strace $0x90000047  }
0x291: {  	s0 =	stileid.u32;
	[bflag:$0x2] =	sbarrier.arrive $0xFFFF  }
0x292: {  	p0 =	sne.s32 s0, $0x0;
	s0 =	rddreg [dreg:$0x2]  }
0x293: {  	s0 =	sadd.s32 @!p0 $0x100000, s0  }
0x294: {  	[sflag:s0] =	ssyncadd.tile.s32 @!p0 $0x1;
	_ =	shalt  }
.Lfunc_end2:
_tile_overlayer_lowered:
.L_overlay_start_2:
0x295: {  	(tag) =	ssettag $0x2  }
0x296: {  	s0 =	rddreg [dreg:$0x0];
	s2 =	stileid.u32  }
0x297: {  	s1 =	rddreg [dreg:$0x1];
	p0 =	sne.s32 s2, $0x0  }
0x298: {  	s3 =	rddreg [dreg:$0x2];
	[bflag:$0x3] =	sbarrier.arrive $0xFFFF;
	s2 =	simm.s32 @!p0 $0x1C05  }
0x299: {  	[timem:s3], [sflag:s2] =	dma.local @!p0 [hbm:s0], s1  }
0x29a: {  	s0 =	simm.s32 @!p0 $0x5  }
0x29b: {  	_ =	swait.ge @!p0 [sflag:s0], s1  }
0x29c: {  	s1 =	ssub.s32 @!p0 $0x0, s1;
	[sflag:s0] =	ssyncset.done @!p0 $0x0  }
0x29d: {  	[sflag:s0] =	ssyncadd.s32 @!p0 s1  }
0x29e: {  	[bflag:$0x3] =	sbarrier.arrive $0xFFFF  }
0x29f: {  	_ =	shalt  }

</sc_bundles>
